<compile_context>
chip_gen: v7x
topology: tpu7x:2x2x1
jax: 0.10.2.dev20260603
libtpu: 0.0.44.dev20260713+nightly
codegen_flags: <defaults>
</compile_context>

<pallas_src>
import functools

import jax
import jax.numpy as jnp
from jax import lax
from jax.experimental import pallas as pl
from jax.experimental.pallas import tpu as pltpu
from jax.experimental.pallas import tpu_sc as plsc

TOP_K = 2
TILE_R = 512
TILE_T = 256


def _pack_bf16(xb):
    H = xb.shape[-1] // 2
    lo = lax.bitcast_convert_type(xb[:, :H], jnp.uint16).astype(jnp.uint32)
    hi = lax.bitcast_convert_type(xb[:, H:], jnp.uint16).astype(jnp.uint32)
    return lax.bitcast_convert_type(lo | (hi << 16), jnp.float32)


def _unpack_bf16(pk):
    w = lax.bitcast_convert_type(pk, jnp.uint32)
    lo = lax.bitcast_convert_type((w & 0xFFFF).astype(jnp.uint16), jnp.bfloat16)
    hi = lax.bitcast_convert_type((w >> 16).astype(jnp.uint16), jnp.bfloat16)
    return lo, hi



def _shared_combine_body(x_ref, wg_ref, wu_ref, wd_ref, y0_ref, y1_ref,
                         w_ref, out_ref):
    xb = x_ref[...].astype(jnp.bfloat16)
    g = jnp.dot(xb, wg_ref[...], preferred_element_type=jnp.float32)
    u = jnp.dot(xb, wu_ref[...], preferred_element_type=jnp.float32)
    h = (g * jax.nn.sigmoid(g) * u).astype(jnp.bfloat16)
    sh = jnp.dot(h, wd_ref[...], preferred_element_type=jnp.float32)
    w0 = w_ref[:, 0:1]
    w1 = w_ref[:, 1:2]
    lo0, hi0 = _unpack_bf16(y0_ref[...])
    lo1, hi1 = _unpack_bf16(y1_ref[...])
    H = lo0.shape[1]
    out_ref[:, :H] = (sh[:, :H]
                      + w0 * lo0.astype(jnp.float32)
                      + w1 * lo1.astype(jnp.float32))
    out_ref[:, H:] = (sh[:, H:]
                      + w0 * hi0.astype(jnp.float32)
                      + w1 * hi1.astype(jnp.float32))


def _shared_combine(x2, wg_s, wu_s, wd_s, ysg, w_pad):
    T, D = x2.shape
    MS = wg_s.shape[1]
    Dh = D // 2
    nt = T // TILE_T
    const = lambda i: (0, 0)
    return pl.pallas_call(
        _shared_combine_body,
        grid=(nt,),
        in_specs=[
            pl.BlockSpec((TILE_T, D), lambda i: (i, 0)),
            pl.BlockSpec((D, MS), const),
            pl.BlockSpec((D, MS), const),
            pl.BlockSpec((MS, D), const),
            pl.BlockSpec((TILE_T, Dh), lambda i: (i, 0)),
            pl.BlockSpec((TILE_T, Dh), lambda i: (i + nt, 0)),
            pl.BlockSpec((TILE_T, 128), lambda i: (i, 0)),
        ],
        out_specs=pl.BlockSpec((TILE_T, D), lambda i: (i, 0)),
        out_shape=jax.ShapeDtypeStruct((T, D), jnp.float32),
    )(x2, wg_s, wu_s, wd_s, ysg, ysg, w_pad)


def _cast_body(wg_ref, wu_ref, wd_ref, og_ref, ou_ref, od_ref):
    og_ref[...] = wg_ref[...].astype(jnp.bfloat16)
    ou_ref[...] = wu_ref[...].astype(jnp.bfloat16)
    od_ref[...] = wd_ref[...].astype(jnp.bfloat16)


def _cast_weights(wg, wu, wd):
    E, D, M = wg.shape
    return pl.pallas_call(
        _cast_body,
        grid=(E,),
        in_specs=[
            pl.BlockSpec((1, D, M), lambda e: (e, 0, 0)),
            pl.BlockSpec((1, D, M), lambda e: (e, 0, 0)),
            pl.BlockSpec((1, M, D), lambda e: (e, 0, 0)),
        ],
        out_specs=[
            pl.BlockSpec((1, D, M), lambda e: (e, 0, 0)),
            pl.BlockSpec((1, D, M), lambda e: (e, 0, 0)),
            pl.BlockSpec((1, M, D), lambda e: (e, 0, 0)),
        ],
        out_shape=[
            jax.ShapeDtypeStruct((E, D, M), jnp.bfloat16),
            jax.ShapeDtypeStruct((E, D, M), jnp.bfloat16),
            jax.ShapeDtypeStruct((E, M, D), jnp.bfloat16),
        ],
    )(wg, wu, wd)


def _cumsum_excl_rows(x):
    R = x.shape[0]
    s = x
    k = 1
    while k < R:
        s = s + jnp.concatenate(
            [jnp.zeros((k, x.shape[1]), x.dtype), s[:-k]], axis=0)
        k *= 2
    return s - x


def _routing_body(E, x_ref, gwt_ref, w_ref, idx_ref, xpk_ref, cnt_out_ref,
                  cnt_ref):
    i = pl.program_id(0)

    @pl.when(i == 0)
    def _():
        cnt_ref[...] = jnp.zeros_like(cnt_ref)

    x = x_ref[...]
    xpk_ref[...] = _pack_bf16(x.astype(jnp.bfloat16))
    logits = jnp.dot(x, gwt_ref[...], preferred_element_type=jnp.float32)
    col = lax.broadcasted_iota(jnp.int32, logits.shape, 1)
    l = jnp.where(col < E, logits, -jnp.inf)
    m = jnp.max(l, axis=-1, keepdims=True)
    e = jnp.exp(l - m)
    p = e / jnp.sum(e, axis=-1, keepdims=True)
    m1 = jnp.max(p, axis=-1, keepdims=True)
    i1 = jnp.min(jnp.where(p == m1, col, E), axis=-1, keepdims=True)
    p2 = jnp.where(col == i1, -1.0, p)
    m2 = jnp.max(p2, axis=-1, keepdims=True)
    i2 = jnp.min(jnp.where(p2 == m2, col, E), axis=-1, keepdims=True)
    denom = m1 + m2 + 1e-20
    w_ref[...] = jnp.where(col == 0, m1 / denom,
                           jnp.where(col == 1, m2 / denom, 0.0))

    oh0 = col == i1
    oh1 = col == i2
    oh = oh0.astype(jnp.int32) + oh1.astype(jnp.int32)
    excl = _cumsum_excl_rows(oh) + cnt_ref[...]
    r0 = jnp.sum(jnp.where(oh0, excl, 0), axis=-1, keepdims=True)
    r1 = jnp.sum(jnp.where(oh1, excl, 0), axis=-1, keepdims=True)
    new_cnt = cnt_ref[...] + jnp.sum(oh, axis=0, keepdims=True)
    cnt_ref[...] = new_cnt
    cnt_out_ref[...] = new_cnt
    idx_ref[...] = jnp.where(
        col == 0, i1, jnp.where(col == 1, i2,
                                jnp.where(col == 2, r0,
                                          jnp.where(col == 3, r1, 0))))


def _routing(x2, gate_wt_pad, E):
    T, D = x2.shape
    nt = T // TILE_T
    return pl.pallas_call(
        functools.partial(_routing_body, E),
        grid=(nt,),
        in_specs=[
            pl.BlockSpec((TILE_T, D), lambda i: (i, 0)),
            pl.BlockSpec((D, 128), lambda i: (0, 0)),
        ],
        out_specs=[
            pl.BlockSpec((TILE_T, 128), lambda i: (i, 0)),
            pl.BlockSpec((TILE_T, 128), lambda i: (i, 0)),
            pl.BlockSpec((TILE_T, D // 2), lambda i: (i, 0)),
            pl.BlockSpec((1, 128), lambda i: (0, 0)),
        ],
        out_shape=[
            jax.ShapeDtypeStruct((T, 128), jnp.float32),
            jax.ShapeDtypeStruct((T, 128), jnp.int32),
            jax.ShapeDtypeStruct((T, D // 2), jnp.float32),
            jax.ShapeDtypeStruct((1, 128), jnp.int32),
        ],
        scratch_shapes=[pltpu.VMEM((1, 128), jnp.int32)],
    )(x2, gate_wt_pad)



@functools.partial(jax.jit, static_argnames=("chunk",))
def _sc_gather(table, idx, chunk=32):
    V, D = table.shape
    B = idx.shape[0]
    info = plsc.get_sparse_core_info()
    nw = info.num_cores * info.num_subcores
    b_per_w = B // nw
    n_chunks = b_per_w // chunk
    mesh = plsc.VectorSubcoreMesh(core_axis_name="c", subcore_axis_name="s")

    @functools.partial(
        pl.kernel, mesh=mesh,
        out_type=jax.ShapeDtypeStruct((B, D), table.dtype),
        scratch_types=[
            pltpu.VMEM((chunk,), jnp.int32),
            pltpu.VMEM((chunk,), jnp.int32),
            pltpu.VMEM((chunk, D), table.dtype),
            pltpu.VMEM((chunk, D), table.dtype),
            pltpu.SemaphoreType.DMA,
            pltpu.SemaphoreType.DMA,
        ],
    )
    def k(table_hbm, idx_hbm, out_hbm, idx0, idx1, rows0, rows1, sem0, sem1):
        wid = lax.axis_index("s") * info.num_cores + lax.axis_index("c")
        base = wid * b_per_w
        idx_v = (idx0, idx1)
        rows_v = (rows0, rows1)
        sems = (sem0, sem1)
        pltpu.sync_copy(idx_hbm.at[pl.ds(base, chunk)], idx0)
        pend = [pltpu.async_copy(table_hbm.at[idx0], rows0, sem0)]
        for c in range(n_chunks):
            if c + 1 < n_chunks:
                nb = (c + 1) % 2
                pltpu.sync_copy(
                    idx_hbm.at[pl.ds(base + (c + 1) * chunk, chunk)], idx_v[nb])
                pend.append(pltpu.async_copy(
                    table_hbm.at[idx_v[nb]], rows_v[nb], sems[nb]))
            pend.pop(0).wait()
            pltpu.sync_copy(rows_v[c % 2], out_hbm.at[pl.ds(base + c * chunk, chunk)])

    return k(table, idx)



@functools.partial(jax.jit, static_argnames=("P_pad", "chunk"))
def _sc_dispatch(x2, slot0, slot1, P_pad, chunk=32):
    T, D = x2.shape
    info = plsc.get_sparse_core_info()
    nw = info.num_cores * info.num_subcores
    t_per_w = T // nw
    n_chunks = t_per_w // chunk
    mesh = plsc.VectorSubcoreMesh(core_axis_name="c", subcore_axis_name="s")

    @functools.partial(
        pl.kernel, mesh=mesh,
        out_type=jax.ShapeDtypeStruct((P_pad, D), x2.dtype),
        scratch_types=[
            pltpu.VMEM((chunk,), jnp.int32),
            pltpu.VMEM((chunk,), jnp.int32),
            pltpu.VMEM((chunk, D), x2.dtype),
            pltpu.SemaphoreType.DMA,
            pltpu.SemaphoreType.DMA,
        ],
    )
    def k(x_hbm, s0_hbm, s1_hbm, out_hbm, i0, i1, rows, sem0, sem1):
        wid = lax.axis_index("s") * info.num_cores + lax.axis_index("c")
        base = wid * t_per_w
        for c in range(n_chunks):
            off = base + c * chunk
            pltpu.sync_copy(x_hbm.at[pl.ds(off, chunk)], rows)
            pltpu.sync_copy(s0_hbm.at[pl.ds(off, chunk)], i0)
            pltpu.sync_copy(s1_hbm.at[pl.ds(off, chunk)], i1)
            a = pltpu.async_copy(rows, out_hbm.at[i0], sem0)
            b = pltpu.async_copy(rows, out_hbm.at[i1], sem1)
            a.wait()
            b.wait()

    return k(x2, slot0, slot1)



def _expert_body(te_ref, tv_ref, xs_ref, wg_ref, wu_ref, wd_ref, ys_ref):
    i = pl.program_id(0)

    @pl.when(tv_ref[i] == 1)
    def _():
        lo, hi = _unpack_bf16(xs_ref[...])
        H = lo.shape[1]
        g = (jnp.dot(lo, wg_ref[0, :H], preferred_element_type=jnp.float32)
             + jnp.dot(hi, wg_ref[0, H:], preferred_element_type=jnp.float32))
        u = (jnp.dot(lo, wu_ref[0, :H], preferred_element_type=jnp.float32)
             + jnp.dot(hi, wu_ref[0, H:], preferred_element_type=jnp.float32))
        h = (g * jax.nn.sigmoid(g) * u).astype(jnp.bfloat16)
        y = jnp.dot(h, wd_ref[0], preferred_element_type=jnp.float32)
        ys_ref[...] = _pack_bf16(y.astype(jnp.bfloat16))


def _experts(te, tv, xs, wg, wu, wd):
    P, Dh = xs.shape
    D = 2 * Dh
    M = wg.shape[2]
    nt = P // TILE_R
    grid_spec = pltpu.PrefetchScalarGridSpec(
        num_scalar_prefetch=2,
        grid=(nt,),
        in_specs=[
            pl.BlockSpec((TILE_R, Dh), lambda i, te, tv: (i, 0)),
            pl.BlockSpec((1, D, M), lambda i, te, tv: (te[i], 0, 0)),
            pl.BlockSpec((1, D, M), lambda i, te, tv: (te[i], 0, 0)),
            pl.BlockSpec((1, M, D), lambda i, te, tv: (te[i], 0, 0)),
        ],
        out_specs=pl.BlockSpec((TILE_R, Dh), lambda i, te, tv: (i, 0)),
    )
    return pl.pallas_call(
        _expert_body,
        grid_spec=grid_spec,
        out_shape=jax.ShapeDtypeStruct((P, Dh), jnp.float32),
    )(te, tv, xs, wg, wu, wd)




def _plan(idx_pad, cnt_out, T, E, P_pad):
    counts = cnt_out[0, :E]
    padded = ((counts + TILE_R - 1) // TILE_R) * TILE_R
    poff = jnp.concatenate([jnp.zeros((1,), jnp.int32),
                            jnp.cumsum(padded).astype(jnp.int32)])
    e0 = idx_pad[:, 0]
    e1 = idx_pad[:, 1]
    slot0 = idx_pad[:, 2]
    slot1 = idx_pad[:, 3]
    for k in range(E):
        slot0 = slot0 + jnp.where(e0 == k, poff[k], 0)
        slot1 = slot1 + jnp.where(e1 == k, poff[k], 0)
    starts = jnp.arange(P_pad // TILE_R, dtype=jnp.int32) * TILE_R
    e_raw = jnp.searchsorted(poff, starts, side="right").astype(jnp.int32) - 1
    tv = (starts < poff[E]).astype(jnp.int32)
    te = jnp.where(tv == 1, jnp.clip(e_raw, 0, E - 1), 0)
    pos_flat = jnp.concatenate([slot0, slot1])
    return slot0, slot1, te, tv, pos_flat



def kernel(hidden_states, gate_w, Wg, Wu, Wd, Wg_s, Wu_s, Wd_s):
    b, s, d = hidden_states.shape
    T = b * s
    E = gate_w.shape[0]
    x2 = hidden_states.reshape(T, d)
    P_pad = T * TOP_K + E * TILE_R

    gate_wt_pad = jnp.zeros((d, 128), jnp.float32).at[:, :E].set(gate_w.T)
    w_pad, idx_pad, xpk, cnt_out = _routing(x2, gate_wt_pad, E)

    slot0, slot1, te, tv, pos_flat = _plan(idx_pad, cnt_out, T, E, P_pad)

    xs = _sc_dispatch(xpk, slot0, slot1, P_pad)
    wg_b, wu_b, wd_b = _cast_weights(Wg, Wu, Wd)
    ys = _experts(te, tv, xs, wg_b, wu_b, wd_b)
    ysg = _sc_gather(ys, pos_flat)
    out = _shared_combine(
        x2, Wg_s.astype(jnp.bfloat16), Wu_s.astype(jnp.bfloat16),
        Wd_s.astype(jnp.bfloat16), ysg, w_pad)
    return out.reshape(b, s, d)

# --- scband reference (transcript-rebuilt; emitter-appended) ---
"""Pipeline reference for scband-deepseek-mo-eblock-29076928594527 (READ-ONLY COPY).

The authoritative reference and input builder live on the scoring server;
editing this copy changes nothing except your own understanding.
"""

import jax, jax.numpy as jnp
import numpy as np

B, S, D = 2, 2048, 1024
E = 8
TOP_K = 2
M = 512          # moe_intermediate_size
N_SHARED = 2
M_SHARED = M * N_SHARED


def setup_inputs(seed: int = 0) -> dict:
    key = jax.random.key(seed)
    ks = jax.random.split(key, 9)
    scale = 0.02
    inp = {
        "hidden_states": jax.random.normal(ks[0], (B, S, D), dtype=jnp.float32),
        "gate_w": jax.random.normal(ks[1], (E, D), dtype=jnp.float32) * scale,
        "Wg": jax.random.normal(ks[2], (E, D, M), dtype=jnp.float32) * scale,
        "Wu": jax.random.normal(ks[3], (E, D, M), dtype=jnp.float32) * scale,
        "Wd": jax.random.normal(ks[4], (E, M, D), dtype=jnp.float32) * scale,
        "Wg_s": jax.random.normal(ks[5], (D, M_SHARED), dtype=jnp.float32) * scale,
        "Wu_s": jax.random.normal(ks[6], (D, M_SHARED), dtype=jnp.float32) * scale,
        "Wd_s": jax.random.normal(ks[7], (M_SHARED, D), dtype=jnp.float32) * scale,
    }
    return inp


def reference(hidden_states, gate_w, Wg, Wu, Wd, Wg_s, Wu_s, Wd_s):
    b, s, d = hidden_states.shape
    identity = hidden_states
    x = hidden_states.reshape(-1, d)            # [T, D]
    T = x.shape[0]

    # MoEGate: softmax scoring + top-k selection, normalized weights
    logits = x @ gate_w.T                        # [T, E]
    scores = jax.nn.softmax(logits, axis=-1)
    topk_weight, topk_idx = jax.lax.top_k(scores, TOP_K)   # [T, K]
    topk_weight = topk_weight / (jnp.sum(topk_weight, axis=-1, keepdims=True) + 1e-20)

    # routing_weights_mask: scatter top-k weights into dense [T, E] combine matrix
    # (equivalent to sum over one_hot(topk_idx) * topk_weight in the torch code)
    combine = jnp.zeros((T, E), dtype=x.dtype)
    combine = combine.at[jnp.arange(T)[:, None], topk_idx].add(topk_weight)

    # Routed experts (DeepseekV2MLP: silu(x@Wg)*(x@Wu) @ Wd), dense dispatch
    g = jnp.einsum('td,edm->tem', x, Wg)
    u = jnp.einsum('td,edm->tem', x, Wu)
    h = jax.nn.silu(g) * u                       # [T, E, M]
    y = jnp.einsum('tem,emd->ted', h, Wd)        # [T, E, D]
    out = jnp.einsum('te,ted->td', combine, y)   # [T, D]

    out = out.reshape(b, s, d)

    # shared experts (single MLP with intermediate = M * n_shared_experts)
    xi = identity.reshape(-1, d)
    sh = (jax.nn.silu(xi @ Wg_s) * (xi @ Wu_s)) @ Wd_s
    out = out + sh.reshape(b, s, d)
    return out

if __name__ == "__main__":
    import jax
    _d = setup_inputs()
    print(jax.jit(kernel)(*tuple(_d.values())))

</pallas_src>

<mosaic_0001>
#map = affine_map<(d0, d1) -> (0, 0)>
#map1 = affine_map<(d0, d1) -> (0)>
module attributes {stable_mosaic.version = 14 : i64} {
  func.func @k(%arg0: i32, %arg1: i32, %arg2: memref<4096x512xf32, #tpu.memory_space<hbm>>, %arg3: memref<4096xi32, #tpu.memory_space<hbm>>, %arg4: memref<4096xi32, #tpu.memory_space<hbm>>, %arg5: memref<12288x512xf32, #tpu.memory_space<hbm>>, %arg6: memref<32xi32, #tpu.memory_space<vmem>>, %arg7: memref<32xi32, #tpu.memory_space<vmem>>, %arg8: memref<32x512xf32, #tpu.memory_space<vmem>>, %arg9: memref<!tpu.dma_semaphore, #tpu.memory_space<semaphore_mem>>, %arg10: memref<!tpu.dma_semaphore, #tpu.memory_space<semaphore_mem>>) attributes {dimension_semantics = [#tpu.dimension_semantics<core_parallel>, #tpu.dimension_semantics<subcore_parallel>], iteration_bounds = array<i64: 2, 16>, scalar_prefetch = 0 : i64, scratch_operands = 5 : i64, tpu.core_type = #tpu.core_type<sc_vector_subcore>, window_params = [{transform_indices = #map}, {transform_indices = #map1}, {transform_indices = #map1}, {transform_indices = #map}]} {
    %mul3A = arith.constant 2 : i32
    %mul3A_0 = arith.muli %arg1, %mul3A : i32
    %add3A = arith.addi %mul3A_0, %arg0 : i32
    %mul3A_1 = arith.constant 128 : i32
    %mul3A_2 = arith.muli %add3A, %mul3A_1 : i32
    %add3A_3 = arith.constant 0 : i32
    %add3A_4 = arith.addi %mul3A_2, %add3A_3 : i32
    "tpu.region"() ({
      %run_scoped3A = tpu.sem_alloc : memref<!tpu.dma_semaphore, #tpu.memory_space<semaphore_mem>>
      %dma_start3A_57 = arith.constant 0 : i32
      %dma_start3A_58 = tpu.memref_slice %arg2[%add3A_4, %dma_start3A_57] : memref<4096x512xf32, #tpu.memory_space<hbm>> -> memref<32x512xf32, #tpu.memory_space<hbm>>
      %dma_start3A_59 = arith.constant 0 : i32
      %dma_start3A_60 = tpu.memref_slice %arg2[%add3A_4, %dma_start3A_59] : memref<4096x512xf32, #tpu.memory_space<hbm>> -> memref<32x512xf32, #tpu.memory_space<hbm>>
      tpu.enqueue_dma source(%dma_start3A_60 : memref<32x512xf32, #tpu.memory_space<hbm>>) target(%arg8 : memref<32x512xf32, #tpu.memory_space<vmem>>) target_semaphore(%run_scoped3A : memref<!tpu.dma_semaphore, #tpu.memory_space<semaphore_mem>>)
      %dma_wait3A_61 = arith.constant 0 : i32
      %dma_wait3A_62 = tpu.memref_slice %arg2[%add3A_4, %dma_wait3A_61] : memref<4096x512xf32, #tpu.memory_space<hbm>> -> memref<32x512xf32, #tpu.memory_space<hbm>>
      %dma_wait3A_63 = arith.constant 0 : i32
      %dma_wait3A_64 = tpu.memref_slice %arg2[%add3A_4, %dma_wait3A_63] : memref<4096x512xf32, #tpu.memory_space<hbm>> -> memref<32x512xf32, #tpu.memory_space<hbm>>
      tpu.wait_dma2 semaphore(%run_scoped3A : memref<!tpu.dma_semaphore, #tpu.memory_space<semaphore_mem>>) src(%dma_wait3A_64 : memref<32x512xf32, #tpu.memory_space<hbm>>) dst(%arg8 : memref<32x512xf32, #tpu.memory_space<vmem>>)
      tpu.yield
    }) : () -> ()
    "tpu.region"() ({
      %run_scoped3A = tpu.sem_alloc : memref<!tpu.dma_semaphore, #tpu.memory_space<semaphore_mem>>
      %dma_start3A_57 = tpu.memref_slice %arg3[%add3A_4] : memref<4096xi32, #tpu.memory_space<hbm>> -> memref<32xi32, #tpu.memory_space<hbm>>
      %dma_start3A_58 = tpu.memref_slice %arg3[%add3A_4] : memref<4096xi32, #tpu.memory_space<hbm>> -> memref<32xi32, #tpu.memory_space<hbm>>
      tpu.enqueue_dma source(%dma_start3A_58 : memref<32xi32, #tpu.memory_space<hbm>>) target(%arg6 : memref<32xi32, #tpu.memory_space<vmem>>) target_semaphore(%run_scoped3A : memref<!tpu.dma_semaphore, #tpu.memory_space<semaphore_mem>>)
      %dma_wait3A_59 = tpu.memref_slice %arg3[%add3A_4] : memref<4096xi32, #tpu.memory_space<hbm>> -> memref<32xi32, #tpu.memory_space<hbm>>
      %dma_wait3A_60 = tpu.memref_slice %arg3[%add3A_4] : memref<4096xi32, #tpu.memory_space<hbm>> -> memref<32xi32, #tpu.memory_space<hbm>>
      tpu.wait_dma2 semaphore(%run_scoped3A : memref<!tpu.dma_semaphore, #tpu.memory_space<semaphore_mem>>) src(%dma_wait3A_60 : memref<32xi32, #tpu.memory_space<hbm>>) dst(%arg6 : memref<32xi32, #tpu.memory_space<vmem>>)
      tpu.yield
    }) : () -> ()
    "tpu.region"() ({
      %run_scoped3A = tpu.sem_alloc : memref<!tpu.dma_semaphore, #tpu.memory_space<semaphore_mem>>
      %dma_start3A_57 = tpu.memref_slice %arg4[%add3A_4] : memref<4096xi32, #tpu.memory_space<hbm>> -> memref<32xi32, #tpu.memory_space<hbm>>
      %dma_start3A_58 = tpu.memref_slice %arg4[%add3A_4] : memref<4096xi32, #tpu.memory_space<hbm>> -> memref<32xi32, #tpu.memory_space<hbm>>
      tpu.enqueue_dma source(%dma_start3A_58 : memref<32xi32, #tpu.memory_space<hbm>>) target(%arg7 : memref<32xi32, #tpu.memory_space<vmem>>) target_semaphore(%run_scoped3A : memref<!tpu.dma_semaphore, #tpu.memory_space<semaphore_mem>>)
      %dma_wait3A_59 = tpu.memref_slice %arg4[%add3A_4] : memref<4096xi32, #tpu.memory_space<hbm>> -> memref<32xi32, #tpu.memory_space<hbm>>
      %dma_wait3A_60 = tpu.memref_slice %arg4[%add3A_4] : memref<4096xi32, #tpu.memory_space<hbm>> -> memref<32xi32, #tpu.memory_space<hbm>>
      tpu.wait_dma2 semaphore(%run_scoped3A : memref<!tpu.dma_semaphore, #tpu.memory_space<semaphore_mem>>) src(%dma_wait3A_60 : memref<32xi32, #tpu.memory_space<hbm>>) dst(%arg7 : memref<32xi32, #tpu.memory_space<vmem>>)
      tpu.yield
    }) : () -> ()
    %dma_start3A = arith.constant 0 : i32
    %dma_start3A_5 = arith.constant 0 : i32
    %dma_start3A_6 = tpu.memref_slice %arg5[%dma_start3A, %dma_start3A_5] : memref<12288x512xf32, #tpu.memory_space<hbm>> -> memref<12288x512xf32, #tpu.memory_space<hbm>>
    tpu.enqueue_indirect_dma source(%arg8 : memref<32x512xf32, #tpu.memory_space<vmem>>) target(%dma_start3A_6 : memref<12288x512xf32, #tpu.memory_space<hbm>>) offsets(%arg6 : memref<32xi32, #tpu.memory_space<vmem>>) semaphore(%arg9 : memref<!tpu.dma_semaphore, #tpu.memory_space<semaphore_mem>>)
    %dma_start3A_7 = arith.constant 0 : i32
    %dma_start3A_8 = arith.constant 0 : i32
    %dma_start3A_9 = tpu.memref_slice %arg5[%dma_start3A_7, %dma_start3A_8] : memref<12288x512xf32, #tpu.memory_space<hbm>> -> memref<12288x512xf32, #tpu.memory_space<hbm>>
    tpu.enqueue_indirect_dma source(%arg8 : memref<32x512xf32, #tpu.memory_space<vmem>>) target(%dma_start3A_9 : memref<12288x512xf32, #tpu.memory_space<hbm>>) offsets(%arg7 : memref<32xi32, #tpu.memory_space<vmem>>) semaphore(%arg10 : memref<!tpu.dma_semaphore, #tpu.memory_space<semaphore_mem>>)
    %dma_wait3A = arith.constant 0 : i32
    %dma_wait3A_10 = arith.constant 0 : i32
    %dma_wait3A_11 = tpu.memref_slice %arg5[%dma_wait3A, %dma_wait3A_10] : memref<12288x512xf32, #tpu.memory_space<hbm>> -> memref<12288x512xf32, #tpu.memory_space<hbm>>
    tpu.wait_indirect_dma semaphore(%arg9 : memref<!tpu.dma_semaphore, #tpu.memory_space<semaphore_mem>>) src(%arg8 : memref<32x512xf32, #tpu.memory_space<vmem>>) dst(%dma_wait3A_11 : memref<12288x512xf32, #tpu.memory_space<hbm>>)
    %dma_wait3A_12 = arith.constant 0 : i32
    %dma_wait3A_13 = arith.constant 0 : i32
    %dma_wait3A_14 = tpu.memref_slice %arg5[%dma_wait3A_12, %dma_wait3A_13] : memref<12288x512xf32, #tpu.memory_space<hbm>> -> memref<12288x512xf32, #tpu.memory_space<hbm>>
    tpu.wait_indirect_dma semaphore(%arg10 : memref<!tpu.dma_semaphore, #tpu.memory_space<semaphore_mem>>) src(%arg8 : memref<32x512xf32, #tpu.memory_space<vmem>>) dst(%dma_wait3A_14 : memref<12288x512xf32, #tpu.memory_space<hbm>>)
    %add3A_15 = arith.constant 32 : i32
    %add3A_16 = arith.addi %mul3A_2, %add3A_15 : i32
    "tpu.region"() ({
      %run_scoped3A = tpu.sem_alloc : memref<!tpu.dma_semaphore, #tpu.memory_space<semaphore_mem>>
      %dma_start3A_57 = arith.constant 0 : i32
      %dma_start3A_58 = tpu.memref_slice %arg2[%add3A_16, %dma_start3A_57] : memref<4096x512xf32, #tpu.memory_space<hbm>> -> memref<32x512xf32, #tpu.memory_space<hbm>>
      %dma_start3A_59 = arith.constant 0 : i32
      %dma_start3A_60 = tpu.memref_slice %arg2[%add3A_16, %dma_start3A_59] : memref<4096x512xf32, #tpu.memory_space<hbm>> -> memref<32x512xf32, #tpu.memory_space<hbm>>
      tpu.enqueue_dma source(%dma_start3A_60 : memref<32x512xf32, #tpu.memory_space<hbm>>) target(%arg8 : memref<32x512xf32, #tpu.memory_space<vmem>>) target_semaphore(%run_scoped3A : memref<!tpu.dma_semaphore, #tpu.memory_space<semaphore_mem>>)
      %dma_wait3A_61 = arith.constant 0 : i32
      %dma_wait3A_62 = tpu.memref_slice %arg2[%add3A_16, %dma_wait3A_61] : memref<4096x512xf32, #tpu.memory_space<hbm>> -> memref<32x512xf32, #tpu.memory_space<hbm>>
      %dma_wait3A_63 = arith.constant 0 : i32
      %dma_wait3A_64 = tpu.memref_slice %arg2[%add3A_16, %dma_wait3A_63] : memref<4096x512xf32, #tpu.memory_space<hbm>> -> memref<32x512xf32, #tpu.memory_space<hbm>>
      tpu.wait_dma2 semaphore(%run_scoped3A : memref<!tpu.dma_semaphore, #tpu.memory_space<semaphore_mem>>) src(%dma_wait3A_64 : memref<32x512xf32, #tpu.memory_space<hbm>>) dst(%arg8 : memref<32x512xf32, #tpu.memory_space<vmem>>)
      tpu.yield
    }) : () -> ()
    "tpu.region"() ({
      %run_scoped3A = tpu.sem_alloc : memref<!tpu.dma_semaphore, #tpu.memory_space<semaphore_mem>>
      %dma_start3A_57 = tpu.memref_slice %arg3[%add3A_16] : memref<4096xi32, #tpu.memory_space<hbm>> -> memref<32xi32, #tpu.memory_space<hbm>>
      %dma_start3A_58 = tpu.memref_slice %arg3[%add3A_16] : memref<4096xi32, #tpu.memory_space<hbm>> -> memref<32xi32, #tpu.memory_space<hbm>>
      tpu.enqueue_dma source(%dma_start3A_58 : memref<32xi32, #tpu.memory_space<hbm>>) target(%arg6 : memref<32xi32, #tpu.memory_space<vmem>>) target_semaphore(%run_scoped3A : memref<!tpu.dma_semaphore, #tpu.memory_space<semaphore_mem>>)
      %dma_wait3A_59 = tpu.memref_slice %arg3[%add3A_16] : memref<4096xi32, #tpu.memory_space<hbm>> -> memref<32xi32, #tpu.memory_space<hbm>>
      %dma_wait3A_60 = tpu.memref_slice %arg3[%add3A_16] : memref<4096xi32, #tpu.memory_space<hbm>> -> memref<32xi32, #tpu.memory_space<hbm>>
      tpu.wait_dma2 semaphore(%run_scoped3A : memref<!tpu.dma_semaphore, #tpu.memory_space<semaphore_mem>>) src(%dma_wait3A_60 : memref<32xi32, #tpu.memory_space<hbm>>) dst(%arg6 : memref<32xi32, #tpu.memory_space<vmem>>)
      tpu.yield
    }) : () -> ()
    "tpu.region"() ({
      %run_scoped3A = tpu.sem_alloc : memref<!tpu.dma_semaphore, #tpu.memory_space<semaphore_mem>>
      %dma_start3A_57 = tpu.memref_slice %arg4[%add3A_16] : memref<4096xi32, #tpu.memory_space<hbm>> -> memref<32xi32, #tpu.memory_space<hbm>>
      %dma_start3A_58 = tpu.memref_slice %arg4[%add3A_16] : memref<4096xi32, #tpu.memory_space<hbm>> -> memref<32xi32, #tpu.memory_space<hbm>>
      tpu.enqueue_dma source(%dma_start3A_58 : memref<32xi32, #tpu.memory_space<hbm>>) target(%arg7 : memref<32xi32, #tpu.memory_space<vmem>>) target_semaphore(%run_scoped3A : memref<!tpu.dma_semaphore, #tpu.memory_space<semaphore_mem>>)
      %dma_wait3A_59 = tpu.memref_slice %arg4[%add3A_16] : memref<4096xi32, #tpu.memory_space<hbm>> -> memref<32xi32, #tpu.memory_space<hbm>>
      %dma_wait3A_60 = tpu.memref_slice %arg4[%add3A_16] : memref<4096xi32, #tpu.memory_space<hbm>> -> memref<32xi32, #tpu.memory_space<hbm>>
      tpu.wait_dma2 semaphore(%run_scoped3A : memref<!tpu.dma_semaphore, #tpu.memory_space<semaphore_mem>>) src(%dma_wait3A_60 : memref<32xi32, #tpu.memory_space<hbm>>) dst(%arg7 : memref<32xi32, #tpu.memory_space<vmem>>)
      tpu.yield
    }) : () -> ()
    %dma_start3A_17 = arith.constant 0 : i32
    %dma_start3A_18 = arith.constant 0 : i32
    %dma_start3A_19 = tpu.memref_slice %arg5[%dma_start3A_17, %dma_start3A_18] : memref<12288x512xf32, #tpu.memory_space<hbm>> -> memref<12288x512xf32, #tpu.memory_space<hbm>>
    tpu.enqueue_indirect_dma source(%arg8 : memref<32x512xf32, #tpu.memory_space<vmem>>) target(%dma_start3A_19 : memref<12288x512xf32, #tpu.memory_space<hbm>>) offsets(%arg6 : memref<32xi32, #tpu.memory_space<vmem>>) semaphore(%arg9 : memref<!tpu.dma_semaphore, #tpu.memory_space<semaphore_mem>>)
    %dma_start3A_20 = arith.constant 0 : i32
    %dma_start3A_21 = arith.constant 0 : i32
    %dma_start3A_22 = tpu.memref_slice %arg5[%dma_start3A_20, %dma_start3A_21] : memref<12288x512xf32, #tpu.memory_space<hbm>> -> memref<12288x512xf32, #tpu.memory_space<hbm>>
    tpu.enqueue_indirect_dma source(%arg8 : memref<32x512xf32, #tpu.memory_space<vmem>>) target(%dma_start3A_22 : memref<12288x512xf32, #tpu.memory_space<hbm>>) offsets(%arg7 : memref<32xi32, #tpu.memory_space<vmem>>) semaphore(%arg10 : memref<!tpu.dma_semaphore, #tpu.memory_space<semaphore_mem>>)
    %dma_wait3A_23 = arith.constant 0 : i32
    %dma_wait3A_24 = arith.constant 0 : i32
    %dma_wait3A_25 = tpu.memref_slice %arg5[%dma_wait3A_23, %dma_wait3A_24] : memref<12288x512xf32, #tpu.memory_space<hbm>> -> memref<12288x512xf32, #tpu.memory_space<hbm>>
    tpu.wait_indirect_dma semaphore(%arg9 : memref<!tpu.dma_semaphore, #tpu.memory_space<semaphore_mem>>) src(%arg8 : memref<32x512xf32, #tpu.memory_space<vmem>>) dst(%dma_wait3A_25 : memref<12288x512xf32, #tpu.memory_space<hbm>>)
    %dma_wait3A_26 = arith.constant 0 : i32
    %dma_wait3A_27 = arith.constant 0 : i32
    %dma_wait3A_28 = tpu.memref_slice %arg5[%dma_wait3A_26, %dma_wait3A_27] : memref<12288x512xf32, #tpu.memory_space<hbm>> -> memref<12288x512xf32, #tpu.memory_space<hbm>>
    tpu.wait_indirect_dma semaphore(%arg10 : memref<!tpu.dma_semaphore, #tpu.memory_space<semaphore_mem>>) src(%arg8 : memref<32x512xf32, #tpu.memory_space<vmem>>) dst(%dma_wait3A_28 : memref<12288x512xf32, #tpu.memory_space<hbm>>)
    %add3A_29 = arith.constant 64 : i32
    %add3A_30 = arith.addi %mul3A_2, %add3A_29 : i32
    "tpu.region"() ({
      %run_scoped3A = tpu.sem_alloc : memref<!tpu.dma_semaphore, #tpu.memory_space<semaphore_mem>>
      %dma_start3A_57 = arith.constant 0 : i32
      %dma_start3A_58 = tpu.memref_slice %arg2[%add3A_30, %dma_start3A_57] : memref<4096x512xf32, #tpu.memory_space<hbm>> -> memref<32x512xf32, #tpu.memory_space<hbm>>
      %dma_start3A_59 = arith.constant 0 : i32
      %dma_start3A_60 = tpu.memref_slice %arg2[%add3A_30, %dma_start3A_59] : memref<4096x512xf32, #tpu.memory_space<hbm>> -> memref<32x512xf32, #tpu.memory_space<hbm>>
      tpu.enqueue_dma source(%dma_start3A_60 : memref<32x512xf32, #tpu.memory_space<hbm>>) target(%arg8 : memref<32x512xf32, #tpu.memory_space<vmem>>) target_semaphore(%run_scoped3A : memref<!tpu.dma_semaphore, #tpu.memory_space<semaphore_mem>>)
      %dma_wait3A_61 = arith.constant 0 : i32
      %dma_wait3A_62 = tpu.memref_slice %arg2[%add3A_30, %dma_wait3A_61] : memref<4096x512xf32, #tpu.memory_space<hbm>> -> memref<32x512xf32, #tpu.memory_space<hbm>>
      %dma_wait3A_63 = arith.constant 0 : i32
      %dma_wait3A_64 = tpu.memref_slice %arg2[%add3A_30, %dma_wait3A_63] : memref<4096x512xf32, #tpu.memory_space<hbm>> -> memref<32x512xf32, #tpu.memory_space<hbm>>
      tpu.wait_dma2 semaphore(%run_scoped3A : memref<!tpu.dma_semaphore, #tpu.memory_space<semaphore_mem>>) src(%dma_wait3A_64 : memref<32x512xf32, #tpu.memory_space<hbm>>) dst(%arg8 : memref<32x512xf32, #tpu.memory_space<vmem>>)
      tpu.yield
    }) : () -> ()
    "tpu.region"() ({
      %run_scoped3A = tpu.sem_alloc : memref<!tpu.dma_semaphore, #tpu.memory_space<semaphore_mem>>
      %dma_start3A_57 = tpu.memref_slice %arg3[%add3A_30] : memref<4096xi32, #tpu.memory_space<hbm>> -> memref<32xi32, #tpu.memory_space<hbm>>
      %dma_start3A_58 = tpu.memref_slice %arg3[%add3A_30] : memref<4096xi32, #tpu.memory_space<hbm>> -> memref<32xi32, #tpu.memory_space<hbm>>
      tpu.enqueue_dma source(%dma_start3A_58 : memref<32xi32, #tpu.memory_space<hbm>>) target(%arg6 : memref<32xi32, #tpu.memory_space<vmem>>) target_semaphore(%run_scoped3A : memref<!tpu.dma_semaphore, #tpu.memory_space<semaphore_mem>>)
      %dma_wait3A_59 = tpu.memref_slice %arg3[%add3A_30] : memref<4096xi32, #tpu.memory_space<hbm>> -> memref<32xi32, #tpu.memory_space<hbm>>
      %dma_wait3A_60 = tpu.memref_slice %arg3[%add3A_30] : memref<4096xi32, #tpu.memory_space<hbm>> -> memref<32xi32, #tpu.memory_space<hbm>>
      tpu.wait_dma2 semaphore(%run_scoped3A : memref<!tpu.dma_semaphore, #tpu.memory_space<semaphore_mem>>) src(%dma_wait3A_60 : memref<32xi32, #tpu.memory_space<hbm>>) dst(%arg6 : memref<32xi32, #tpu.memory_space<vmem>>)
      tpu.yield
    }) : () -> ()
    "tpu.region"() ({
      %run_scoped3A = tpu.sem_alloc : memref<!tpu.dma_semaphore, #tpu.memory_space<semaphore_mem>>
      %dma_start3A_57 = tpu.memref_slice %arg4[%add3A_30] : memref<4096xi32, #tpu.memory_space<hbm>> -> memref<32xi32, #tpu.memory_space<hbm>>
      %dma_start3A_58 = tpu.memref_slice %arg4[%add3A_30] : memref<4096xi32, #tpu.memory_space<hbm>> -> memref<32xi32, #tpu.memory_space<hbm>>
      tpu.enqueue_dma source(%dma_start3A_58 : memref<32xi32, #tpu.memory_space<hbm>>) target(%arg7 : memref<32xi32, #tpu.memory_space<vmem>>) target_semaphore(%run_scoped3A : memref<!tpu.dma_semaphore, #tpu.memory_space<semaphore_mem>>)
      %dma_wait3A_59 = tpu.memref_slice %arg4[%add3A_30] : memref<4096xi32, #tpu.memory_space<hbm>> -> memref<32xi32, #tpu.memory_space<hbm>>
      %dma_wait3A_60 = tpu.memref_slice %arg4[%add3A_30] : memref<4096xi32, #tpu.memory_space<hbm>> -> memref<32xi32, #tpu.memory_space<hbm>>
      tpu.wait_dma2 semaphore(%run_scoped3A : memref<!tpu.dma_semaphore, #tpu.memory_space<semaphore_mem>>) src(%dma_wait3A_60 : memref<32xi32, #tpu.memory_space<hbm>>) dst(%arg7 : memref<32xi32, #tpu.memory_space<vmem>>)
      tpu.yield
    }) : () -> ()
    %dma_start3A_31 = arith.constant 0 : i32
    %dma_start3A_32 = arith.constant 0 : i32
    %dma_start3A_33 = tpu.memref_slice %arg5[%dma_start3A_31, %dma_start3A_32] : memref<12288x512xf32, #tpu.memory_space<hbm>> -> memref<12288x512xf32, #tpu.memory_space<hbm>>
    tpu.enqueue_indirect_dma source(%arg8 : memref<32x512xf32, #tpu.memory_space<vmem>>) target(%dma_start3A_33 : memref<12288x512xf32, #tpu.memory_space<hbm>>) offsets(%arg6 : memref<32xi32, #tpu.memory_space<vmem>>) semaphore(%arg9 : memref<!tpu.dma_semaphore, #tpu.memory_space<semaphore_mem>>)
    %dma_start3A_34 = arith.constant 0 : i32
    %dma_start3A_35 = arith.constant 0 : i32
    %dma_start3A_36 = tpu.memref_slice %arg5[%dma_start3A_34, %dma_start3A_35] : memref<12288x512xf32, #tpu.memory_space<hbm>> -> memref<12288x512xf32, #tpu.memory_space<hbm>>
    tpu.enqueue_indirect_dma source(%arg8 : memref<32x512xf32, #tpu.memory_space<vmem>>) target(%dma_start3A_36 : memref<12288x512xf32, #tpu.memory_space<hbm>>) offsets(%arg7 : memref<32xi32, #tpu.memory_space<vmem>>) semaphore(%arg10 : memref<!tpu.dma_semaphore, #tpu.memory_space<semaphore_mem>>)
    %dma_wait3A_37 = arith.constant 0 : i32
    %dma_wait3A_38 = arith.constant 0 : i32
    %dma_wait3A_39 = tpu.memref_slice %arg5[%dma_wait3A_37, %dma_wait3A_38] : memref<12288x512xf32, #tpu.memory_space<hbm>> -> memref<12288x512xf32, #tpu.memory_space<hbm>>
    tpu.wait_indirect_dma semaphore(%arg9 : memref<!tpu.dma_semaphore, #tpu.memory_space<semaphore_mem>>) src(%arg8 : memref<32x512xf32, #tpu.memory_space<vmem>>) dst(%dma_wait3A_39 : memref<12288x512xf32, #tpu.memory_space<hbm>>)
    %dma_wait3A_40 = arith.constant 0 : i32
    %dma_wait3A_41 = arith.constant 0 : i32
    %dma_wait3A_42 = tpu.memref_slice %arg5[%dma_wait3A_40, %dma_wait3A_41] : memref<12288x512xf32, #tpu.memory_space<hbm>> -> memref<12288x512xf32, #tpu.memory_space<hbm>>
    tpu.wait_indirect_dma semaphore(%arg10 : memref<!tpu.dma_semaphore, #tpu.memory_space<semaphore_mem>>) src(%arg8 : memref<32x512xf32, #tpu.memory_space<vmem>>) dst(%dma_wait3A_42 : memref<12288x512xf32, #tpu.memory_space<hbm>>)
    %add3A_43 = arith.constant 96 : i32
    %add3A_44 = arith.addi %mul3A_2, %add3A_43 : i32
    "tpu.region"() ({
      %run_scoped3A = tpu.sem_alloc : memref<!tpu.dma_semaphore, #tpu.memory_space<semaphore_mem>>
      %dma_start3A_57 = arith.constant 0 : i32
      %dma_start3A_58 = tpu.memref_slice %arg2[%add3A_44, %dma_start3A_57] : memref<4096x512xf32, #tpu.memory_space<hbm>> -> memref<32x512xf32, #tpu.memory_space<hbm>>
      %dma_start3A_59 = arith.constant 0 : i32
      %dma_start3A_60 = tpu.memref_slice %arg2[%add3A_44, %dma_start3A_59] : memref<4096x512xf32, #tpu.memory_space<hbm>> -> memref<32x512xf32, #tpu.memory_space<hbm>>
      tpu.enqueue_dma source(%dma_start3A_60 : memref<32x512xf32, #tpu.memory_space<hbm>>) target(%arg8 : memref<32x512xf32, #tpu.memory_space<vmem>>) target_semaphore(%run_scoped3A : memref<!tpu.dma_semaphore, #tpu.memory_space<semaphore_mem>>)
      %dma_wait3A_61 = arith.constant 0 : i32
      %dma_wait3A_62 = tpu.memref_slice %arg2[%add3A_44, %dma_wait3A_61] : memref<4096x512xf32, #tpu.memory_space<hbm>> -> memref<32x512xf32, #tpu.memory_space<hbm>>
      %dma_wait3A_63 = arith.constant 0 : i32
      %dma_wait3A_64 = tpu.memref_slice %arg2[%add3A_44, %dma_wait3A_63] : memref<4096x512xf32, #tpu.memory_space<hbm>> -> memref<32x512xf32, #tpu.memory_space<hbm>>
      tpu.wait_dma2 semaphore(%run_scoped3A : memref<!tpu.dma_semaphore, #tpu.memory_space<semaphore_mem>>) src(%dma_wait3A_64 : memref<32x512xf32, #tpu.memory_space<hbm>>) dst(%arg8 : memref<32x512xf32, #tpu.memory_space<vmem>>)
      tpu.yield
    }) : () -> ()
    "tpu.region"() ({
      %run_scoped3A = tpu.sem_alloc : memref<!tpu.dma_semaphore, #tpu.memory_space<semaphore_mem>>
      %dma_start3A_57 = tpu.memref_slice %arg3[%add3A_44] : memref<4096xi32, #tpu.memory_space<hbm>> -> memref<32xi32, #tpu.memory_space<hbm>>
      %dma_start3A_58 = tpu.memref_slice %arg3[%add3A_44] : memref<4096xi32, #tpu.memory_space<hbm>> -> memref<32xi32, #tpu.memory_space<hbm>>
      tpu.enqueue_dma source(%dma_start3A_58 : memref<32xi32, #tpu.memory_space<hbm>>) target(%arg6 : memref<32xi32, #tpu.memory_space<vmem>>) target_semaphore(%run_scoped3A : memref<!tpu.dma_semaphore, #tpu.memory_space<semaphore_mem>>)
      %dma_wait3A_59 = tpu.memref_slice %arg3[%add3A_44] : memref<4096xi32, #tpu.memory_space<hbm>> -> memref<32xi32, #tpu.memory_space<hbm>>
      %dma_wait3A_60 = tpu.memref_slice %arg3[%add3A_44] : memref<4096xi32, #tpu.memory_space<hbm>> -> memref<32xi32, #tpu.memory_space<hbm>>
      tpu.wait_dma2 semaphore(%run_scoped3A : memref<!tpu.dma_semaphore, #tpu.memory_space<semaphore_mem>>) src(%dma_wait3A_60 : memref<32xi32, #tpu.memory_space<hbm>>) dst(%arg6 : memref<32xi32, #tpu.memory_space<vmem>>)
      tpu.yield
    }) : () -> ()
    "tpu.region"() ({
      %run_scoped3A = tpu.sem_alloc : memref<!tpu.dma_semaphore, #tpu.memory_space<semaphore_mem>>
      %dma_start3A_57 = tpu.memref_slice %arg4[%add3A_44] : memref<4096xi32, #tpu.memory_space<hbm>> -> memref<32xi32, #tpu.memory_space<hbm>>
      %dma_start3A_58 = tpu.memref_slice %arg4[%add3A_44] : memref<4096xi32, #tpu.memory_space<hbm>> -> memref<32xi32, #tpu.memory_space<hbm>>
      tpu.enqueue_dma source(%dma_start3A_58 : memref<32xi32, #tpu.memory_space<hbm>>) target(%arg7 : memref<32xi32, #tpu.memory_space<vmem>>) target_semaphore(%run_scoped3A : memref<!tpu.dma_semaphore, #tpu.memory_space<semaphore_mem>>)
      %dma_wait3A_59 = tpu.memref_slice %arg4[%add3A_44] : memref<4096xi32, #tpu.memory_space<hbm>> -> memref<32xi32, #tpu.memory_space<hbm>>
      %dma_wait3A_60 = tpu.memref_slice %arg4[%add3A_44] : memref<4096xi32, #tpu.memory_space<hbm>> -> memref<32xi32, #tpu.memory_space<hbm>>
      tpu.wait_dma2 semaphore(%run_scoped3A : memref<!tpu.dma_semaphore, #tpu.memory_space<semaphore_mem>>) src(%dma_wait3A_60 : memref<32xi32, #tpu.memory_space<hbm>>) dst(%arg7 : memref<32xi32, #tpu.memory_space<vmem>>)
      tpu.yield
    }) : () -> ()
    %dma_start3A_45 = arith.constant 0 : i32
    %dma_start3A_46 = arith.constant 0 : i32
    %dma_start3A_47 = tpu.memref_slice %arg5[%dma_start3A_45, %dma_start3A_46] : memref<12288x512xf32, #tpu.memory_space<hbm>> -> memref<12288x512xf32, #tpu.memory_space<hbm>>
    tpu.enqueue_indirect_dma source(%arg8 : memref<32x512xf32, #tpu.memory_space<vmem>>) target(%dma_start3A_47 : memref<12288x512xf32, #tpu.memory_space<hbm>>) offsets(%arg6 : memref<32xi32, #tpu.memory_space<vmem>>) semaphore(%arg9 : memref<!tpu.dma_semaphore, #tpu.memory_space<semaphore_mem>>)
    %dma_start3A_48 = arith.constant 0 : i32
    %dma_start3A_49 = arith.constant 0 : i32
    %dma_start3A_50 = tpu.memref_slice %arg5[%dma_start3A_48, %dma_start3A_49] : memref<12288x512xf32, #tpu.memory_space<hbm>> -> memref<12288x512xf32, #tpu.memory_space<hbm>>
    tpu.enqueue_indirect_dma source(%arg8 : memref<32x512xf32, #tpu.memory_space<vmem>>) target(%dma_start3A_50 : memref<12288x512xf32, #tpu.memory_space<hbm>>) offsets(%arg7 : memref<32xi32, #tpu.memory_space<vmem>>) semaphore(%arg10 : memref<!tpu.dma_semaphore, #tpu.memory_space<semaphore_mem>>)
    %dma_wait3A_51 = arith.constant 0 : i32
    %dma_wait3A_52 = arith.constant 0 : i32
    %dma_wait3A_53 = tpu.memref_slice %arg5[%dma_wait3A_51, %dma_wait3A_52] : memref<12288x512xf32, #tpu.memory_space<hbm>> -> memref<12288x512xf32, #tpu.memory_space<hbm>>
    tpu.wait_indirect_dma semaphore(%arg9 : memref<!tpu.dma_semaphore, #tpu.memory_space<semaphore_mem>>) src(%arg8 : memref<32x512xf32, #tpu.memory_space<vmem>>) dst(%dma_wait3A_53 : memref<12288x512xf32, #tpu.memory_space<hbm>>)
    %dma_wait3A_54 = arith.constant 0 : i32
    %dma_wait3A_55 = arith.constant 0 : i32
    %dma_wait3A_56 = tpu.memref_slice %arg5[%dma_wait3A_54, %dma_wait3A_55] : memref<12288x512xf32, #tpu.memory_space<hbm>> -> memref<12288x512xf32, #tpu.memory_space<hbm>>
    tpu.wait_indirect_dma semaphore(%arg10 : memref<!tpu.dma_semaphore, #tpu.memory_space<semaphore_mem>>) src(%arg8 : memref<32x512xf32, #tpu.memory_space<vmem>>) dst(%dma_wait3A_56 : memref<12288x512xf32, #tpu.memory_space<hbm>>)
    return
  }
}

</mosaic_0001>

<sc_bundles>
// kernel: _sc_dispatch.3.cloned.1.call-start
scs
__scs_entry_jumppad:
0x0: {  	(pc) =	sbr.rel $0x88, $3  }
0x1: {  	(tag) =	ssettag $0x0;
	lr =	simm.s32 $0x1  }
0x2: {  	[smem:$0x3F9E] =	sst lr;
	_ =	strace $0xD0000000  }
0x3: {  	_ = 	snop  }
0x4: {  	_ = 	snop  }
0x5: {  	_ = 	snop  }
0x6: {  	_ = 	snop  }
0x7: {  	_ = 	snop  }
__scs_overlays_trampoline_lowered:
0x8: {  	[smem:$0x3FAD] =	sst s0  }
0x9: {  	[smem:$0x3FAE] =	sst s1  }
0xa: {  	[smem:$0x3FAF] =	sst s2  }
0xb: {  	[smem:$0x3FB0] =	sst s3  }
0xc: {  	[smem:$0x3FB1] =	sst s4  }
0xd: {  	[smem:$0x3FB2] =	sst s5  }
0xe: {  	[smem:$0x3FB3] =	sst s6  }
0xf: {  	[smem:$0x3FB4] =	sst s7  }
0x10: {  	[smem:$0x3FB5] =	sst s8  }
0x11: {  	[smem:$0x3FB6] =	sst s9;
	s0 =	simm.s32 @!p0 $0x0  }
0x12: {  	s1 =	sld [smem:$0x3F9C];
	s0 =	simm.s32 @p0 $0x1  }
0x13: {  	[smem:$0x3FB7] =	sst s0;
	s0 =	simm.s32 @!p1 $0x0  }
0x14: {  	s2 =	sld [smem:$0x3F9B];
	s0 =	simm.s32 @p1 $0x1  }
0x15: {  	[smem:$0x3FB8] =	sst s0;
	s0 =	simm.s32 @!p2 $0x0  }
0x16: {  	s3 =	sld [smem:$0x3FDB];
	s0 =	simm.s32 @p2 $0x1  }
0x17: {  	s4 =	simm.s32 $0x1BF5;
	[smem:$0x3FBA] =	sst s0  }
0x18: {  	s0 =	sld [smem:$0x3F9D];
	_ =	swait.ge [sflag:s4], $0x0  }
0x19: {  	s7 =	sld [smem:$0x3F9E]  }
0x1a: {  	s8 =	sadd.s32 $0xFFFFE003, lr  }
0x1b: {  	s9 =	sadd.s32 $0xFFFFFEF7, lr;
	s5 =	simm.s32 $0xFFFFFFFF;
	p2 =	slt.u32 s8, $0xFFFFF086  }
0x1c: {  	p1 =	slt.u32 s9, $0xF7A;
	s5 =	simm.s32 @!p2 $0x0  }
0x1d: {  	s5 =	simm.s32 @p1 $0x1;
	p0 =	seq.s32 s7, s2  }
0x1e: {  	s7 =	smul.u32 @!p0 $0xF7A, s2;
	p2 =	seq.s32 @!p0 s5, $0x0  }
0x1f: {  	s9 =	smul.u32 $0xF7A, s1;
	s8 =	simm.s32 @!p0 $0x1BF5;
	p2 =	por !p2, p0  }
0x20: {  	[sflag:s8] =	ssyncset.s32 @!p0 $0xFFFFF086;
	s6 =	sadd.s32 @!p0 s3, s7;
	s7 =	simm.s32 @!p0 $0x108  }
0x21: {  	s3 =	sadd.s32 s3, s9;
	s6 =	sadd.s32 @!p0 $0x88, s6;
	s7 =	simm.s32 @p2 $0x1082  }
0x22: {  	[simem:s7], [sflag:s8] =	dma.local @!p0 [hbm:s6], $0xF7A  }
0x23: {  	s9 =	sor.u32 $0xD0000000, s2;
	s6 =	simm.s32 $0x108;
	_ =	swait.ge @!p0 [sflag:s8], $0x0  }
0x24: {  	s3 =	sadd.s32 $0x88, s3;
	s6 =	simm.s32 @!p1 $0x1082;
	[sflag:s4] =	ssyncset.s32 $0xFFFFF086  }
0x25: {  	[simem:s6], [sflag:s4] =	dma.local [hbm:s3], $0xF7A  }
0x26: {  	[smem:$0x3F9E] =	sst s1;
	(tag) =	ssettag s2;
	_ =	strace s9  }
0x27: {  	s1 =	sld [smem:$0x3FAE]  }
0x28: {  	s2 =	sld [smem:$0x3FAF]  }
0x29: {  	s4 =	sld [smem:$0x3FB1]  }
0x2a: {  	p0 =	seq.s32 s5, $0x0;
	s5 =	sld [smem:$0x3FB2]  }
0x2b: {  	s6 =	sld [smem:$0x3FB3]  }
0x2c: {  	s7 =	sld [smem:$0x3FB4]  }
0x2d: {  	s3 =	simm.s32 $0x108;
	s8 =	sld [smem:$0x3FB5]  }
0x2e: {  	s3 =	simm.s32 @!p0 $0x1082;
	s9 =	sld [smem:$0x3FB6]  }
0x2f: {  	lr =	sadd.s32 s0, s3;
	s0 =	sld [smem:$0x3FAD]  }
0x30: {  	s3 =	sld [smem:$0x3FB0]  }
0x31: {  	[smem:$0x3FB9] =	sst s10  }
0x32: {  	s10 =	sld [smem:$0x3FB7];
	_ =	sdelay $0x3  }
0x33: {  	p0 =	seq.s32 s10, $0x1;
	s10 =	sld [smem:$0x3FB9];
	_ =	sdelay $0x3  }
0x34: {  	[smem:$0x3FB9] =	sst s10  }
0x35: {  	s10 =	sld [smem:$0x3FB8];
	_ =	sdelay $0x3  }
0x36: {  	p1 =	seq.s32 s10, $0x1;
	s10 =	sld [smem:$0x3FB9];
	_ =	sdelay $0x3  }
0x37: {  	[smem:$0x3FB9] =	sst s10  }
0x38: {  	s10 =	sld [smem:$0x3FBA]  }
0x39: {  	_ = 	snop;
	(pc) =	sbr.ind lr, $3  }
0x3a: {  	_ = 	snop  }
0x3b: {  	_ = 	snop  }
0x3c: {  	p2 =	seq.s32 s10, $0x1;
	s10 =	sld [smem:$0x3FB9]  }
0x3d: {  	_ =	shalt  }
0x3e: {  	_ =	shalt  }
0x3f: {  	_ =	shalt  }
0x40: {  	_ =	shalt  }
0x41: {  	_ =	shalt  }
0x42: {  	_ =	shalt  }
0x43: {  	_ =	shalt  }
0x44: {  	_ =	shalt  }
0x45: {  	_ =	shalt  }
0x46: {  	_ =	shalt  }
0x47: {  	_ =	shalt  }
0x48: {  	_ =	shalt  }
0x49: {  	_ =	shalt  }
0x4a: {  	_ =	shalt  }
0x4b: {  	_ =	shalt  }
0x4c: {  	_ =	shalt  }
0x4d: {  	_ =	shalt  }
0x4e: {  	_ =	shalt  }
0x4f: {  	_ =	shalt  }
0x50: {  	_ =	shalt  }
0x51: {  	_ =	shalt  }
0x52: {  	_ =	shalt  }
0x53: {  	_ =	shalt  }
0x54: {  	_ =	shalt  }
0x55: {  	_ =	shalt  }
0x56: {  	_ =	shalt  }
0x57: {  	_ =	shalt  }
0x58: {  	_ =	shalt  }
0x59: {  	_ =	shalt  }
0x5a: {  	_ =	shalt  }
0x5b: {  	_ =	shalt  }
0x5c: {  	_ =	shalt  }
0x5d: {  	_ =	shalt  }
0x5e: {  	_ =	shalt  }
0x5f: {  	_ =	shalt  }
0x60: {  	_ =	shalt  }
0x61: {  	_ =	shalt  }
0x62: {  	_ =	shalt  }
0x63: {  	_ =	shalt  }
0x64: {  	_ =	shalt  }
0x65: {  	_ =	shalt  }
0x66: {  	_ =	shalt  }
0x67: {  	_ =	shalt  }
0x68: {  	_ =	shalt  }
0x69: {  	_ =	shalt  }
0x6a: {  	_ =	shalt  }
0x6b: {  	_ =	shalt  }
0x6c: {  	_ =	shalt  }
0x6d: {  	_ =	shalt  }
0x6e: {  	_ =	shalt  }
0x6f: {  	_ =	shalt  }
0x70: {  	_ =	shalt  }
0x71: {  	_ =	shalt  }
0x72: {  	_ =	shalt  }
0x73: {  	_ =	shalt  }
0x74: {  	_ =	shalt  }
0x75: {  	_ =	shalt  }
0x76: {  	_ =	shalt  }
0x77: {  	_ =	shalt  }
0x78: {  	_ =	shalt  }
0x79: {  	_ =	shalt  }
0x7a: {  	_ =	shalt  }
0x7b: {  	_ =	shalt  }
0x7c: {  	_ =	shalt  }
0x7d: {  	_ =	shalt  }
0x7e: {  	_ =	shalt  }
0x7f: {  	_ =	shalt  }
0x80: {  	_ =	shalt  }
0x81: {  	_ =	shalt  }
0x82: {  	_ =	shalt  }
0x83: {  	_ =	shalt  }
0x84: {  	_ =	shalt  }
0x85: {  	_ =	shalt  }
0x86: {  	_ =	shalt  }
0x87: {  	_ =	shalt  }
.Lfunc_end0:
.L_simem_size_0:
called_computation_lowered:
.L_overlay_start_0:
0x88: {  	s2 =	sld [smem:$0x3FD9]  }
0x89: {  	s3 =	sld [smem:$0x3FFE];
	_ =	sdelay $0x1  }
0x8a: {  	s1 =	srdreg.scid  }
0x8b: {  	s0 =	sand.u32 $0x1, s1  }
0x8c: {  	s18 =	sshll.u32 s0, $0xA;
	s2 =	sadd.s32 s3, s2  }
0x8d: {  	s2 =	sadd.s32 s2, s18  }
0x8e: {  	[smem:$0x3FC5] =	sst s2  }
0x8f: {  	_ = 	snop  }
0x90: {  	s2 =	sld [smem:$0x3FC9]  }
0x91: {  	s19 =	sld [smem:$0x3FC8]  }
0x92: {  	s4 =	sld [smem:$0x3FC7]  }
0x93: {  	s5 =	sld [smem:$0x3FD0];
	(tm) =	ssettm $0x1  }
0x94: {  	s6 =	sld [smem:$0x3FFB];
	_ =	sdelay $0x3  }
0x95: {  	_ =	strace s6  }
0x96: {  	s6 =	sld [smem:$0x3FFC];
	_ =	sdelay $0x3  }
0x97: {  	_ =	strace s6  }
0x98: {  	s6 =	sld [smem:$0x3FFD];
	_ =	sdelay $0x3  }
0x99: {  	_ =	strace s6  }
0x9a: {  	_ =	strace $0x8FFFFFFF  }
0x9b: {  	s20 =	sld [smem:$0x3FDB];
	_ =	sdelay $0x1  }
0x9c: {  	s7 =	simm.s32 $_scs_section_size  }
0x9d: {  	s8 =	simm.s32 $_size__tile_overlayer_lowered;
	s9 =	simm.s32 $_tile_overlayer_lowered  }
0x9e: {  	s23 =	simm.s32 $0x1BFF;
	s22 =	sshll.u32 s9, $0x1;
	s6 =	sadd.s32 s7, s20  }
0x9f: {  	s10 =	simm.s32 $0x0;
	s21 =	sshll.u32 s8, $0x1;
	s8 =	sadd.s32 s22, s6  }
0xa0: {  	[timem:s10], [sflag:s23] =	dma.local [hbm:s8], s21  }
0xa1: {  	_ =	swait.ge [sflag:s23], s21  }
0xa2: {  	s7 =	ssub.s32 $0x0, s21;
	[sflag:s23] =	ssyncset.done $0x0  }
0xa3: {  	[sflag:s23] =	ssyncadd.s32 s7;
	_ =	sdelay $0x1  }
0xa4: {  	s24 =	simm.s32 $0x1B8B  }
0xa5: {  	_ =	swait.ge [sflag:s24], $0x1  }
0xa6: {  	[sflag:s24] =	ssyncset.done $0x0  }
0xa7: {  	s25 =	simm.s32 $0x1B8E;
	[sflag:s24] =	ssyncadd.s32 $0xFFFFFFFF  }
0xa8: {  	s26 =	simm.s32 $execute0_lowered;
	[smem:$0x3FD2] =	sst s25  }
0xa9: {  	s7 =	sshll.u32 s26, $0x1;
	_ =	strace $0x80000046;
	[dreg:$0x1] =	wrdreg $0xFFFFFFFF  }
0xaa: {  	s28 =	simm.s32 $_size_execute0_lowered;
	s6 =	sadd.s32 s6, s7;
	[dreg:$0x0] =	wrdreg $0x0  }
0xab: {  	s7 =	sshll.u32 s28, $0x1;
	[dreg:$0x2] =	wrdreg s6  }
0xac: {  	[dreg:$0x3] =	wrdreg s7  }
0xad: {  	[dreg:$0x4] =	wrdreg $0xC0  }
0xae: {  	_ =	task [dreg:s10], $0x5FFFF  }
0xaf: {  	[dreg:$0x1] =	wrdreg $0xFFFFFFFF  }
0xb0: {  	[dreg:$0x0] =	wrdreg $0x60  }
0xb1: {  	[dreg:$0x2] =	wrdreg s2  }
0xb2: {  	[dreg:$0x3] =	wrdreg s19  }
0xb3: {  	[dreg:$0x4] =	wrdreg s4  }
0xb4: {  	[dreg:$0x5] =	wrdreg s5  }
0xb5: {  	[dreg:$0x6] =	wrdreg $0x9  }
0xb6: {  	_ =	task.clear_ibuf [dreg:s10], $0x7FFFF;
	_ =	strace $0x90000046  }
0xb7: {  	s29 =	simm.s32 $0x9;
	_ =	strace $0x80000048  }
0xb8: {  	_ =	swait.ge [sflag:s29], $0x1  }
0xb9: {  	[sflag:s29] =	ssyncadd.s32 $0xFFFFFFFF  }
0xba: {  	_ =	strace $0x90000048  }
0xbb: {  	_ =	sfence  }
0xbc: {  	s30 =	sld [smem:$0x0];
	_ =	sdelay $0x2  }
0xbd: {  	s31 =	sshll.u32 s1, $0xD;
	s1 =	sshrl.u32 s1, $0x2  }
0xbe: {  	s3 =	sand.u32 $0x4000, s31;
	s1 =	sadd.s32 s1, s30  }
0xbf: {  	s0 =	sor.u32 s3, s0;
	s1 =	sshll.u32 s1, $0x11  }
0xc0: {  	s0 =	sor.u32 s1, s0  }
0xc1: {  	s0 =	sadd.s32 $0x8F2B, s0  }
0xc2: {  	[sflag:s0] =	ssyncadd.remote.s32 $0x1  }
0xc3: {  	_ =	sfence.sel $0xFFFF  }
0xc4: {  	[dreg:$0x0] =	wrdreg $0xFFFFFFFF;
	(pc) =	sbr.abs _section_cstart, $3  }
0xc5: {  	[dreg:$0x1] =	wrdreg $0xFFFFFFFF  }
0xc6: {  	_ =	task.clear_ibuf [dreg:s10], $0x2FFFF;
	_ =	strace $0x9FFFFFFF  }
0xc7: {  	(tm) =	ssettm $0x7FFFFFFF  }
tec
execute0_lowered:
.L_overlay_start_1:
0x0: {  	(tag) =	ssettag $0x1  }
0x1: {  	s14 =	rddreg [dreg:$0x0]  }
0x2: {  	s15 =	rddreg [dreg:$0x1]  }
0x3: {  	s16 =	rddreg [dreg:$0x2]  }
0x4: {  	s2 =	rddreg [dreg:$0x3]  }
0x5: {  	s0 =	rddreg [dreg:$0x4];
	s4 =	srdreg.scid  }
0x6: {  	s3 =	simm.s32 $0x0;
	s1 =	stileid.u32;
	s21 =	simm.s32 $0x900  }
0x7: {  	s22 =	simm.s32 $0x1100;
	s23 =	simm.s32 $0x1900;
	s24 =	simm.s32 $0x2100  }
0x8: {  	s25 =	simm.s32 $0x2900;
	s26 =	simm.s32 $0x3100;
	s28 =	simm.s32 $0x3900  }
0x9: {  	s29 =	simm.s32 $0x1;
	s30 =	simm.s32 $0x2;
	s4 =	sand.u32 $0x1, s4  }
0xa: {  	s6 =	sshll.u32 s1, $0x8;
	s5 =	ssub.s32 $0x2, s4;
	s4 =	sshll.u32 s4, $0x7  }
0xb: {  	[smem:$0x7FF] =	sst s3;
	s7 =	sshrl.u32 s5, $0x1;
	s11 =	sor.u32 s4, s6  }
0xc: {  	_ =	strace $0x80000047;
	s17 =	ssub.s32 s5, s7;
	s4 =	sshll.u32 s11, $0x6  }
0xd: {  	s6 =	sshrl.u32 s11, $0x3;
	s9 =	sor.u32 $0x20, s11;
	s7 =	sadd.s32 $0x100, s2  }
0xe: {  	s12 =	sor.u32 $0x40, s11;
	s19 =	sor.u32 $0x60, s11;
	s4 =	sadd.s32 s14, s4  }
0xf: {  	s5 =	sadd.s32 s15, s6;
	s6 =	sadd.s32 s16, s6;
	s8 =	sshll.u32 s9, $0x6  }
0x10: {  	s10 =	sshrl.u32 s9, $0x3;
	s13 =	sshll.u32 s12, $0x6;
	s18 =	sshrl.u32 s12, $0x3  }
0x11: {  	s20 =	sshll.u32 s19, $0x6;
	s31 =	sshrl.u32 s19, $0x3;
	s17 =	smax.u32 s17, $0x1  }
0x12: {  	s19 =	simm.s32 $0x3;
	s8 =	sadd.s32 s14, s8;
	s9 =	sadd.s32 s15, s10  }
0x13: {  	v2 =	vlaneseq.u32;
	s10 =	sadd.s32 s16, s10;
	s11 =	sadd.s32 s14, s13;
	s12 =	sadd.s32 s15, s18  }
0x14: {  	vm0 =	vmmov $0xffff;
	v1 =	vshrl.u32 v2, $0x3;
	s13 =	sadd.s32 s16, s18;
	s14 =	sadd.s32 s14, s20;
	s15 =	sadd.s32 s15, s31  }
0x15: {  	v0 =	vand.u32 $0x7, v2;
	v2 =	vor.u32 $0x8, v2;
	v1 =	vmul.u32 $0x8, v1;
	s16 =	sadd.s32 s16, s31;
	s18 =	simm.s32 $0x100;
	s20 =	simm.s32 $0x80  }
.LBB2_1:
0x16: {  	[tilespmem:s18], [sflag:$0x3] =	stream.linear.gather [hbm4b:s4+s3], $0x4000, $0x38;
	[tilespmem:$0x4100] =	vst v63  }
0x17: {  	_ =	swait.ge [sflag:s19], $0x4000  }
0x18: {  	[sflag:s19] =	ssyncset.done $0x0  }
0x19: {  	[sflag:s19] =	ssyncadd.s32 $0xFFFFC000  }
0x1a: {  	[tilespmem:s3], [sflag:$0x3] =	stream.linear.gather [hbm4b:s5+s3], $0x20, $0x38;
	[tilespmem:$0x4100] =	vst v63  }
0x1b: {  	_ =	swait.ge [sflag:s19], $0x20  }
0x1c: {  	[sflag:s19] =	ssyncset.done $0x0  }
0x1d: {  	[sflag:s19] =	ssyncadd.s32 $0xFFFFFFE0  }
0x1e: {  	[tilespmem:s20], [sflag:$0x3] =	stream.linear.gather [hbm4b:s6+s3], $0x20, $0x38;
	[tilespmem:$0x4100] =	vst v63  }
0x1f: {  	_ =	swait.ge [sflag:s19], $0x20  }
0x20: {  	[sflag:s19] =	ssyncset.done $0x0  }
0x21: {  	[sflag:s19] =	ssyncadd.s32 $0xFFFFFFE0  }
0x22: {  	v3 =	vld [tilespmem:$0x0];
	_ =	sdelay $0x4  }
0x23: {  	v4 =	vshll.u32 v3, $0x2  }
0x24: {  	v3 =	vand.u32 $0x7, v3;
	v4 =	vand.u32 $0xFFFFFFE0, v4  }
0x25: {  	v3 =	vor.u32 v3, v4  }
0x26: {  	v4 =	vperm.xlane v3, v0;
	_ =	sdelay $0x1  }
0x27: {  	v4 =	vadd.s32 v1, v4;
	_ =	sdelay $0x1  }
0x28: {  	v3 =	vperm.xlane v3, v2;
	_ =	sdelay $0x1  }
0x29: {  	v3 =	vadd.s32 v1, v3  }
0x2a: {  	[hbm4b:s2+s3] =	stream.indirect_vreg.scatter [tilespmem:s18], [sflag:$0x1], $0x80, v4, vm0, $0xb8;
	[tilespmem:$0x4100] =	vst v63  }
0x2b: {  	_ = 	snop  }
0x2c: {  	[hbm4b:s7+s3] =	stream.indirect_vreg.scatter [tilespmem:s21], [sflag:$0x1], $0x80, v4, vm0, $0xb8;
	[tilespmem:$0x4100] =	vst v63  }
0x2d: {  	_ = 	snop  }
0x2e: {  	[hbm4b:s2+s3] =	stream.indirect_vreg.scatter [tilespmem:s22], [sflag:$0x1], $0x80, v3, vm0, $0xb8;
	[tilespmem:$0x4100] =	vst v63  }
0x2f: {  	_ = 	snop  }
0x30: {  	[hbm4b:s7+s3] =	stream.indirect_vreg.scatter [tilespmem:s23], [sflag:$0x1], $0x80, v3, vm0, $0xb8;
	[tilespmem:$0x4100] =	vst v63  }
0x31: {  	v3 =	vld [tilespmem:$0x10];
	_ =	sdelay $0x4  }
0x32: {  	v49 =	vshll.u32 v3, $0x2  }
0x33: {  	v3 =	vand.u32 $0x7, v3;
	v4 =	vand.u32 $0xFFFFFFE0, v49  }
0x34: {  	v3 =	vor.u32 v3, v4  }
0x35: {  	v4 =	vperm.xlane v3, v0;
	_ =	sdelay $0x1  }
0x36: {  	v4 =	vadd.s32 v1, v4;
	_ =	sdelay $0x1  }
0x37: {  	v3 =	vperm.xlane v3, v2;
	_ =	sdelay $0x1  }
0x38: {  	v3 =	vadd.s32 v1, v3  }
0x39: {  	[hbm4b:s2+s3] =	stream.indirect_vreg.scatter [tilespmem:s24], [sflag:$0x1], $0x80, v4, vm0, $0xb8;
	[tilespmem:$0x4100] =	vst v63  }
0x3a: {  	_ = 	snop  }
0x3b: {  	[hbm4b:s7+s3] =	stream.indirect_vreg.scatter [tilespmem:s25], [sflag:$0x1], $0x80, v4, vm0, $0xb8;
	[tilespmem:$0x4100] =	vst v63  }
0x3c: {  	_ = 	snop  }
0x3d: {  	[hbm4b:s2+s3] =	stream.indirect_vreg.scatter [tilespmem:s26], [sflag:$0x1], $0x80, v3, vm0, $0xb8;
	[tilespmem:$0x4100] =	vst v63  }
0x3e: {  	_ = 	snop  }
0x3f: {  	[hbm4b:s7+s3] =	stream.indirect_vreg.scatter [tilespmem:s28], [sflag:$0x1], $0x80, v3, vm0, $0xb8;
	[tilespmem:$0x4100] =	vst v63  }
0x40: {  	v3 =	vld [tilespmem:$0x80];
	_ =	sdelay $0x4  }
0x41: {  	v50 =	vshll.u32 v3, $0x2  }
0x42: {  	v3 =	vand.u32 $0x7, v3;
	v4 =	vand.u32 $0xFFFFFFE0, v50  }
0x43: {  	v3 =	vor.u32 v3, v4  }
0x44: {  	v4 =	vperm.xlane v3, v0;
	_ =	sdelay $0x1  }
0x45: {  	v4 =	vadd.s32 v1, v4;
	_ =	sdelay $0x1  }
0x46: {  	v3 =	vperm.xlane v3, v2;
	_ =	sdelay $0x1  }
0x47: {  	v3 =	vadd.s32 v1, v3  }
0x48: {  	[hbm4b:s2+s3] =	stream.indirect_vreg.scatter [tilespmem:s18], [sflag:$0x2], $0x80, v4, vm0, $0xb8;
	[tilespmem:$0x4100] =	vst v63  }
0x49: {  	_ = 	snop  }
0x4a: {  	[hbm4b:s7+s3] =	stream.indirect_vreg.scatter [tilespmem:s21], [sflag:$0x2], $0x80, v4, vm0, $0xb8;
	[tilespmem:$0x4100] =	vst v63  }
0x4b: {  	_ = 	snop  }
0x4c: {  	[hbm4b:s2+s3] =	stream.indirect_vreg.scatter [tilespmem:s22], [sflag:$0x2], $0x80, v3, vm0, $0xb8;
	[tilespmem:$0x4100] =	vst v63  }
0x4d: {  	_ = 	snop  }
0x4e: {  	[hbm4b:s7+s3] =	stream.indirect_vreg.scatter [tilespmem:s23], [sflag:$0x2], $0x80, v3, vm0, $0xb8;
	[tilespmem:$0x4100] =	vst v63  }
0x4f: {  	v3 =	vld [tilespmem:$0x90];
	_ =	sdelay $0x4  }
0x50: {  	v51 =	vshll.u32 v3, $0x2  }
0x51: {  	v3 =	vand.u32 $0x7, v3;
	v4 =	vand.u32 $0xFFFFFFE0, v51  }
0x52: {  	v3 =	vor.u32 v3, v4  }
0x53: {  	v4 =	vperm.xlane v3, v0;
	_ =	sdelay $0x1  }
0x54: {  	v4 =	vadd.s32 v1, v4;
	_ =	sdelay $0x1  }
0x55: {  	v3 =	vperm.xlane v3, v2;
	_ =	sdelay $0x1  }
0x56: {  	v3 =	vadd.s32 v1, v3  }
0x57: {  	[hbm4b:s2+s3] =	stream.indirect_vreg.scatter [tilespmem:s24], [sflag:$0x2], $0x80, v4, vm0, $0xb8;
	[tilespmem:$0x4100] =	vst v63  }
0x58: {  	_ = 	snop  }
0x59: {  	[hbm4b:s7+s3] =	stream.indirect_vreg.scatter [tilespmem:s25], [sflag:$0x2], $0x80, v4, vm0, $0xb8;
	[tilespmem:$0x4100] =	vst v63  }
0x5a: {  	_ = 	snop  }
0x5b: {  	[hbm4b:s2+s3] =	stream.indirect_vreg.scatter [tilespmem:s26], [sflag:$0x2], $0x80, v3, vm0, $0xb8;
	[tilespmem:$0x4100] =	vst v63  }
0x5c: {  	_ = 	snop  }
0x5d: {  	[hbm4b:s7+s3] =	stream.indirect_vreg.scatter [tilespmem:s28], [sflag:$0x2], $0x80, v3, vm0, $0xb8;
	[tilespmem:$0x4100] =	vst v63  }
0x5e: {  	_ =	swait.ge [sflag:s29], $0x4000  }
0x5f: {  	[sflag:s29] =	ssyncset.done $0x0  }
0x60: {  	[sflag:s29] =	ssyncadd.s32 $0xFFFFC000  }
0x61: {  	_ =	swait.ge [sflag:s30], $0x4000  }
0x62: {  	[sflag:s30] =	ssyncset.done $0x0  }
0x63: {  	[sflag:s30] =	ssyncadd.s32 $0xFFFFC000  }
0x64: {  	[tilespmem:s18], [sflag:$0x3] =	stream.linear.gather [hbm4b:s8+s3], $0x4000, $0x38;
	[tilespmem:$0x4100] =	vst v63  }
0x65: {  	_ =	swait.ge [sflag:s19], $0x4000  }
0x66: {  	[sflag:s19] =	ssyncset.done $0x0  }
0x67: {  	[sflag:s19] =	ssyncadd.s32 $0xFFFFC000  }
0x68: {  	[tilespmem:s3], [sflag:$0x3] =	stream.linear.gather [hbm4b:s9+s3], $0x20, $0x38;
	[tilespmem:$0x4100] =	vst v63  }
0x69: {  	_ =	swait.ge [sflag:s19], $0x20  }
0x6a: {  	[sflag:s19] =	ssyncset.done $0x0  }
0x6b: {  	[sflag:s19] =	ssyncadd.s32 $0xFFFFFFE0  }
0x6c: {  	[tilespmem:s20], [sflag:$0x3] =	stream.linear.gather [hbm4b:s10+s3], $0x20, $0x38;
	[tilespmem:$0x4100] =	vst v63  }
0x6d: {  	_ =	swait.ge [sflag:s19], $0x20  }
0x6e: {  	[sflag:s19] =	ssyncset.done $0x0  }
0x6f: {  	[sflag:s19] =	ssyncadd.s32 $0xFFFFFFE0  }
0x70: {  	v3 =	vld [tilespmem:$0x0];
	_ =	sdelay $0x4  }
0x71: {  	v52 =	vshll.u32 v3, $0x2  }
0x72: {  	v3 =	vand.u32 $0x7, v3;
	v4 =	vand.u32 $0xFFFFFFE0, v52  }
0x73: {  	v3 =	vor.u32 v3, v4  }
0x74: {  	v4 =	vperm.xlane v3, v0;
	_ =	sdelay $0x1  }
0x75: {  	v4 =	vadd.s32 v1, v4;
	_ =	sdelay $0x1  }
0x76: {  	v3 =	vperm.xlane v3, v2;
	_ =	sdelay $0x1  }
0x77: {  	v3 =	vadd.s32 v1, v3  }
0x78: {  	[hbm4b:s2+s3] =	stream.indirect_vreg.scatter [tilespmem:s18], [sflag:$0x1], $0x80, v4, vm0, $0xb8;
	[tilespmem:$0x4100] =	vst v63  }
0x79: {  	_ = 	snop  }
0x7a: {  	[hbm4b:s7+s3] =	stream.indirect_vreg.scatter [tilespmem:s21], [sflag:$0x1], $0x80, v4, vm0, $0xb8;
	[tilespmem:$0x4100] =	vst v63  }
0x7b: {  	_ = 	snop  }
0x7c: {  	[hbm4b:s2+s3] =	stream.indirect_vreg.scatter [tilespmem:s22], [sflag:$0x1], $0x80, v3, vm0, $0xb8;
	[tilespmem:$0x4100] =	vst v63  }
0x7d: {  	_ = 	snop  }
0x7e: {  	[hbm4b:s7+s3] =	stream.indirect_vreg.scatter [tilespmem:s23], [sflag:$0x1], $0x80, v3, vm0, $0xb8;
	[tilespmem:$0x4100] =	vst v63  }
0x7f: {  	v3 =	vld [tilespmem:$0x10];
	_ =	sdelay $0x4  }
0x80: {  	v53 =	vshll.u32 v3, $0x2  }
0x81: {  	v3 =	vand.u32 $0x7, v3;
	v4 =	vand.u32 $0xFFFFFFE0, v53  }
0x82: {  	v3 =	vor.u32 v3, v4  }
0x83: {  	v4 =	vperm.xlane v3, v0;
	_ =	sdelay $0x1  }
0x84: {  	v4 =	vadd.s32 v1, v4;
	_ =	sdelay $0x1  }
0x85: {  	v3 =	vperm.xlane v3, v2;
	_ =	sdelay $0x1  }
0x86: {  	v3 =	vadd.s32 v1, v3  }
0x87: {  	[hbm4b:s2+s3] =	stream.indirect_vreg.scatter [tilespmem:s24], [sflag:$0x1], $0x80, v4, vm0, $0xb8;
	[tilespmem:$0x4100] =	vst v63  }
0x88: {  	_ = 	snop  }
0x89: {  	[hbm4b:s7+s3] =	stream.indirect_vreg.scatter [tilespmem:s25], [sflag:$0x1], $0x80, v4, vm0, $0xb8;
	[tilespmem:$0x4100] =	vst v63  }
0x8a: {  	_ = 	snop  }
0x8b: {  	[hbm4b:s2+s3] =	stream.indirect_vreg.scatter [tilespmem:s26], [sflag:$0x1], $0x80, v3, vm0, $0xb8;
	[tilespmem:$0x4100] =	vst v63  }
0x8c: {  	_ = 	snop  }
0x8d: {  	[hbm4b:s7+s3] =	stream.indirect_vreg.scatter [tilespmem:s28], [sflag:$0x1], $0x80, v3, vm0, $0xb8;
	[tilespmem:$0x4100] =	vst v63  }
0x8e: {  	v3 =	vld [tilespmem:$0x80];
	_ =	sdelay $0x4  }
0x8f: {  	v54 =	vshll.u32 v3, $0x2  }
0x90: {  	v3 =	vand.u32 $0x7, v3;
	v4 =	vand.u32 $0xFFFFFFE0, v54  }
0x91: {  	v3 =	vor.u32 v3, v4  }
0x92: {  	v4 =	vperm.xlane v3, v0;
	_ =	sdelay $0x1  }
0x93: {  	v4 =	vadd.s32 v1, v4;
	_ =	sdelay $0x1  }
0x94: {  	v3 =	vperm.xlane v3, v2;
	_ =	sdelay $0x1  }
0x95: {  	v3 =	vadd.s32 v1, v3  }
0x96: {  	[hbm4b:s2+s3] =	stream.indirect_vreg.scatter [tilespmem:s18], [sflag:$0x2], $0x80, v4, vm0, $0xb8;
	[tilespmem:$0x4100] =	vst v63  }
0x97: {  	_ = 	snop  }
0x98: {  	[hbm4b:s7+s3] =	stream.indirect_vreg.scatter [tilespmem:s21], [sflag:$0x2], $0x80, v4, vm0, $0xb8;
	[tilespmem:$0x4100] =	vst v63  }
0x99: {  	_ = 	snop  }
0x9a: {  	[hbm4b:s2+s3] =	stream.indirect_vreg.scatter [tilespmem:s22], [sflag:$0x2], $0x80, v3, vm0, $0xb8;
	[tilespmem:$0x4100] =	vst v63  }
0x9b: {  	_ = 	snop  }
0x9c: {  	[hbm4b:s7+s3] =	stream.indirect_vreg.scatter [tilespmem:s23], [sflag:$0x2], $0x80, v3, vm0, $0xb8;
	[tilespmem:$0x4100] =	vst v63  }
0x9d: {  	v3 =	vld [tilespmem:$0x90];
	_ =	sdelay $0x4  }
0x9e: {  	v55 =	vshll.u32 v3, $0x2  }
0x9f: {  	v3 =	vand.u32 $0x7, v3;
	v4 =	vand.u32 $0xFFFFFFE0, v55  }
0xa0: {  	v3 =	vor.u32 v3, v4  }
0xa1: {  	v4 =	vperm.xlane v3, v0;
	_ =	sdelay $0x1  }
0xa2: {  	v4 =	vadd.s32 v1, v4;
	_ =	sdelay $0x1  }
0xa3: {  	v3 =	vperm.xlane v3, v2;
	_ =	sdelay $0x1  }
0xa4: {  	v3 =	vadd.s32 v1, v3  }
0xa5: {  	[hbm4b:s2+s3] =	stream.indirect_vreg.scatter [tilespmem:s24], [sflag:$0x2], $0x80, v4, vm0, $0xb8;
	[tilespmem:$0x4100] =	vst v63  }
0xa6: {  	_ = 	snop  }
0xa7: {  	[hbm4b:s7+s3] =	stream.indirect_vreg.scatter [tilespmem:s25], [sflag:$0x2], $0x80, v4, vm0, $0xb8;
	[tilespmem:$0x4100] =	vst v63  }
0xa8: {  	_ = 	snop  }
0xa9: {  	[hbm4b:s2+s3] =	stream.indirect_vreg.scatter [tilespmem:s26], [sflag:$0x2], $0x80, v3, vm0, $0xb8;
	[tilespmem:$0x4100] =	vst v63  }
0xaa: {  	_ = 	snop  }
0xab: {  	[hbm4b:s7+s3] =	stream.indirect_vreg.scatter [tilespmem:s28], [sflag:$0x2], $0x80, v3, vm0, $0xb8;
	[tilespmem:$0x4100] =	vst v63  }
0xac: {  	_ =	swait.ge [sflag:s29], $0x4000  }
0xad: {  	[sflag:s29] =	ssyncset.done $0x0  }
0xae: {  	[sflag:s29] =	ssyncadd.s32 $0xFFFFC000  }
0xaf: {  	_ =	swait.ge [sflag:s30], $0x4000  }
0xb0: {  	[sflag:s30] =	ssyncset.done $0x0  }
0xb1: {  	[sflag:s30] =	ssyncadd.s32 $0xFFFFC000  }
0xb2: {  	[tilespmem:s18], [sflag:$0x3] =	stream.linear.gather [hbm4b:s11+s3], $0x4000, $0x38;
	[tilespmem:$0x4100] =	vst v63  }
0xb3: {  	_ =	swait.ge [sflag:s19], $0x4000  }
0xb4: {  	[sflag:s19] =	ssyncset.done $0x0  }
0xb5: {  	[sflag:s19] =	ssyncadd.s32 $0xFFFFC000  }
0xb6: {  	[tilespmem:s3], [sflag:$0x3] =	stream.linear.gather [hbm4b:s12+s3], $0x20, $0x38;
	[tilespmem:$0x4100] =	vst v63  }
0xb7: {  	_ =	swait.ge [sflag:s19], $0x20  }
0xb8: {  	[sflag:s19] =	ssyncset.done $0x0  }
0xb9: {  	[sflag:s19] =	ssyncadd.s32 $0xFFFFFFE0  }
0xba: {  	[tilespmem:s20], [sflag:$0x3] =	stream.linear.gather [hbm4b:s13+s3], $0x20, $0x38;
	[tilespmem:$0x4100] =	vst v63  }
0xbb: {  	_ =	swait.ge [sflag:s19], $0x20  }
0xbc: {  	[sflag:s19] =	ssyncset.done $0x0  }
0xbd: {  	[sflag:s19] =	ssyncadd.s32 $0xFFFFFFE0  }
0xbe: {  	v3 =	vld [tilespmem:$0x0];
	_ =	sdelay $0x4  }
0xbf: {  	v56 =	vshll.u32 v3, $0x2  }
0xc0: {  	v3 =	vand.u32 $0x7, v3;
	v4 =	vand.u32 $0xFFFFFFE0, v56  }
0xc1: {  	v3 =	vor.u32 v3, v4  }
0xc2: {  	v4 =	vperm.xlane v3, v0;
	_ =	sdelay $0x1  }
0xc3: {  	v4 =	vadd.s32 v1, v4;
	_ =	sdelay $0x1  }
0xc4: {  	v3 =	vperm.xlane v3, v2;
	_ =	sdelay $0x1  }
0xc5: {  	v3 =	vadd.s32 v1, v3  }
0xc6: {  	[hbm4b:s2+s3] =	stream.indirect_vreg.scatter [tilespmem:s18], [sflag:$0x1], $0x80, v4, vm0, $0xb8;
	[tilespmem:$0x4100] =	vst v63  }
0xc7: {  	_ = 	snop  }
0xc8: {  	[hbm4b:s7+s3] =	stream.indirect_vreg.scatter [tilespmem:s21], [sflag:$0x1], $0x80, v4, vm0, $0xb8;
	[tilespmem:$0x4100] =	vst v63  }
0xc9: {  	_ = 	snop  }
0xca: {  	[hbm4b:s2+s3] =	stream.indirect_vreg.scatter [tilespmem:s22], [sflag:$0x1], $0x80, v3, vm0, $0xb8;
	[tilespmem:$0x4100] =	vst v63  }
0xcb: {  	_ = 	snop  }
0xcc: {  	[hbm4b:s7+s3] =	stream.indirect_vreg.scatter [tilespmem:s23], [sflag:$0x1], $0x80, v3, vm0, $0xb8;
	[tilespmem:$0x4100] =	vst v63  }
0xcd: {  	v3 =	vld [tilespmem:$0x10];
	_ =	sdelay $0x4  }
0xce: {  	v57 =	vshll.u32 v3, $0x2  }
0xcf: {  	v3 =	vand.u32 $0x7, v3;
	v4 =	vand.u32 $0xFFFFFFE0, v57  }
0xd0: {  	v3 =	vor.u32 v3, v4  }
0xd1: {  	v4 =	vperm.xlane v3, v0;
	_ =	sdelay $0x1  }
0xd2: {  	v4 =	vadd.s32 v1, v4;
	_ =	sdelay $0x1  }
0xd3: {  	v3 =	vperm.xlane v3, v2;
	_ =	sdelay $0x1  }
0xd4: {  	v3 =	vadd.s32 v1, v3  }
0xd5: {  	[hbm4b:s2+s3] =	stream.indirect_vreg.scatter [tilespmem:s24], [sflag:$0x1], $0x80, v4, vm0, $0xb8;
	[tilespmem:$0x4100] =	vst v63  }
0xd6: {  	_ = 	snop  }
0xd7: {  	[hbm4b:s7+s3] =	stream.indirect_vreg.scatter [tilespmem:s25], [sflag:$0x1], $0x80, v4, vm0, $0xb8;
	[tilespmem:$0x4100] =	vst v63  }
0xd8: {  	_ = 	snop  }
0xd9: {  	[hbm4b:s2+s3] =	stream.indirect_vreg.scatter [tilespmem:s26], [sflag:$0x1], $0x80, v3, vm0, $0xb8;
	[tilespmem:$0x4100] =	vst v63  }
0xda: {  	_ = 	snop  }
0xdb: {  	[hbm4b:s7+s3] =	stream.indirect_vreg.scatter [tilespmem:s28], [sflag:$0x1], $0x80, v3, vm0, $0xb8;
	[tilespmem:$0x4100] =	vst v63  }
0xdc: {  	v3 =	vld [tilespmem:$0x80];
	_ =	sdelay $0x4  }
0xdd: {  	v58 =	vshll.u32 v3, $0x2  }
0xde: {  	v3 =	vand.u32 $0x7, v3;
	v4 =	vand.u32 $0xFFFFFFE0, v58  }
0xdf: {  	v3 =	vor.u32 v3, v4  }
0xe0: {  	v4 =	vperm.xlane v3, v0;
	_ =	sdelay $0x1  }
0xe1: {  	v4 =	vadd.s32 v1, v4;
	_ =	sdelay $0x1  }
0xe2: {  	v3 =	vperm.xlane v3, v2;
	_ =	sdelay $0x1  }
0xe3: {  	v3 =	vadd.s32 v1, v3  }
0xe4: {  	[hbm4b:s2+s3] =	stream.indirect_vreg.scatter [tilespmem:s18], [sflag:$0x2], $0x80, v4, vm0, $0xb8;
	[tilespmem:$0x4100] =	vst v63  }
0xe5: {  	_ = 	snop  }
0xe6: {  	[hbm4b:s7+s3] =	stream.indirect_vreg.scatter [tilespmem:s21], [sflag:$0x2], $0x80, v4, vm0, $0xb8;
	[tilespmem:$0x4100] =	vst v63  }
0xe7: {  	_ = 	snop  }
0xe8: {  	[hbm4b:s2+s3] =	stream.indirect_vreg.scatter [tilespmem:s22], [sflag:$0x2], $0x80, v3, vm0, $0xb8;
	[tilespmem:$0x4100] =	vst v63  }
0xe9: {  	_ = 	snop  }
0xea: {  	[hbm4b:s7+s3] =	stream.indirect_vreg.scatter [tilespmem:s23], [sflag:$0x2], $0x80, v3, vm0, $0xb8;
	[tilespmem:$0x4100] =	vst v63  }
0xeb: {  	v3 =	vld [tilespmem:$0x90];
	_ =	sdelay $0x4  }
0xec: {  	v59 =	vshll.u32 v3, $0x2  }
0xed: {  	v3 =	vand.u32 $0x7, v3;
	v4 =	vand.u32 $0xFFFFFFE0, v59  }
0xee: {  	v3 =	vor.u32 v3, v4  }
0xef: {  	v4 =	vperm.xlane v3, v0;
	_ =	sdelay $0x1  }
0xf0: {  	v4 =	vadd.s32 v1, v4;
	_ =	sdelay $0x1  }
0xf1: {  	v3 =	vperm.xlane v3, v2;
	_ =	sdelay $0x1  }
0xf2: {  	v3 =	vadd.s32 v1, v3  }
0xf3: {  	[hbm4b:s2+s3] =	stream.indirect_vreg.scatter [tilespmem:s24], [sflag:$0x2], $0x80, v4, vm0, $0xb8;
	[tilespmem:$0x4100] =	vst v63  }
0xf4: {  	_ = 	snop  }
0xf5: {  	[hbm4b:s7+s3] =	stream.indirect_vreg.scatter [tilespmem:s25], [sflag:$0x2], $0x80, v4, vm0, $0xb8;
	[tilespmem:$0x4100] =	vst v63  }
0xf6: {  	_ = 	snop  }
0xf7: {  	[hbm4b:s2+s3] =	stream.indirect_vreg.scatter [tilespmem:s26], [sflag:$0x2], $0x80, v3, vm0, $0xb8;
	[tilespmem:$0x4100] =	vst v63  }
0xf8: {  	_ = 	snop  }
0xf9: {  	[hbm4b:s7+s3] =	stream.indirect_vreg.scatter [tilespmem:s28], [sflag:$0x2], $0x80, v3, vm0, $0xb8;
	[tilespmem:$0x4100] =	vst v63  }
0xfa: {  	_ =	swait.ge [sflag:s29], $0x4000  }
0xfb: {  	[sflag:s29] =	ssyncset.done $0x0  }
0xfc: {  	[sflag:s29] =	ssyncadd.s32 $0xFFFFC000  }
0xfd: {  	_ =	swait.ge [sflag:s30], $0x4000  }
0xfe: {  	[sflag:s30] =	ssyncset.done $0x0  }
0xff: {  	[sflag:s30] =	ssyncadd.s32 $0xFFFFC000  }
0x100: {  	[tilespmem:s18], [sflag:$0x3] =	stream.linear.gather [hbm4b:s14+s3], $0x4000, $0x38;
	[tilespmem:$0x4100] =	vst v63  }
0x101: {  	_ =	swait.ge [sflag:s19], $0x4000  }
0x102: {  	[sflag:s19] =	ssyncset.done $0x0  }
0x103: {  	[sflag:s19] =	ssyncadd.s32 $0xFFFFC000  }
0x104: {  	[tilespmem:s3], [sflag:$0x3] =	stream.linear.gather [hbm4b:s15+s3], $0x20, $0x38;
	[tilespmem:$0x4100] =	vst v63  }
0x105: {  	_ =	swait.ge [sflag:s19], $0x20  }
0x106: {  	[sflag:s19] =	ssyncset.done $0x0  }
0x107: {  	[sflag:s19] =	ssyncadd.s32 $0xFFFFFFE0  }
0x108: {  	[tilespmem:s20], [sflag:$0x3] =	stream.linear.gather [hbm4b:s16+s3], $0x20, $0x38;
	[tilespmem:$0x4100] =	vst v63  }
0x109: {  	_ =	swait.ge [sflag:s19], $0x20  }
0x10a: {  	[sflag:s19] =	ssyncset.done $0x0  }
0x10b: {  	[sflag:s19] =	ssyncadd.s32 $0xFFFFFFE0  }
0x10c: {  	v3 =	vld [tilespmem:$0x0];
	_ =	sdelay $0x4  }
0x10d: {  	v60 =	vshll.u32 v3, $0x2  }
0x10e: {  	v3 =	vand.u32 $0x7, v3;
	v4 =	vand.u32 $0xFFFFFFE0, v60  }
0x10f: {  	v3 =	vor.u32 v3, v4  }
0x110: {  	v4 =	vperm.xlane v3, v0;
	_ =	sdelay $0x1  }
0x111: {  	v4 =	vadd.s32 v1, v4;
	_ =	sdelay $0x1  }
0x112: {  	v3 =	vperm.xlane v3, v2;
	_ =	sdelay $0x1  }
0x113: {  	v3 =	vadd.s32 v1, v3  }
0x114: {  	[hbm4b:s2+s3] =	stream.indirect_vreg.scatter [tilespmem:s18], [sflag:$0x1], $0x80, v4, vm0, $0xb8;
	[tilespmem:$0x4100] =	vst v63  }
0x115: {  	_ = 	snop  }
0x116: {  	[hbm4b:s7+s3] =	stream.indirect_vreg.scatter [tilespmem:s21], [sflag:$0x1], $0x80, v4, vm0, $0xb8;
	[tilespmem:$0x4100] =	vst v63  }
0x117: {  	_ = 	snop  }
0x118: {  	[hbm4b:s2+s3] =	stream.indirect_vreg.scatter [tilespmem:s22], [sflag:$0x1], $0x80, v3, vm0, $0xb8;
	[tilespmem:$0x4100] =	vst v63  }
0x119: {  	_ = 	snop  }
0x11a: {  	[hbm4b:s7+s3] =	stream.indirect_vreg.scatter [tilespmem:s23], [sflag:$0x1], $0x80, v3, vm0, $0xb8;
	[tilespmem:$0x4100] =	vst v63  }
0x11b: {  	v3 =	vld [tilespmem:$0x10];
	_ =	sdelay $0x4  }
0x11c: {  	v61 =	vshll.u32 v3, $0x2  }
0x11d: {  	v3 =	vand.u32 $0x7, v3;
	v4 =	vand.u32 $0xFFFFFFE0, v61  }
0x11e: {  	v3 =	vor.u32 v3, v4  }
0x11f: {  	v4 =	vperm.xlane v3, v0;
	_ =	sdelay $0x1  }
0x120: {  	v4 =	vadd.s32 v1, v4;
	_ =	sdelay $0x1  }
0x121: {  	v3 =	vperm.xlane v3, v2;
	_ =	sdelay $0x1  }
0x122: {  	v3 =	vadd.s32 v1, v3  }
0x123: {  	[hbm4b:s2+s3] =	stream.indirect_vreg.scatter [tilespmem:s24], [sflag:$0x1], $0x80, v4, vm0, $0xb8;
	[tilespmem:$0x4100] =	vst v63  }
0x124: {  	_ = 	snop  }
0x125: {  	[hbm4b:s7+s3] =	stream.indirect_vreg.scatter [tilespmem:s25], [sflag:$0x1], $0x80, v4, vm0, $0xb8;
	[tilespmem:$0x4100] =	vst v63  }
0x126: {  	_ = 	snop  }
0x127: {  	[hbm4b:s2+s3] =	stream.indirect_vreg.scatter [tilespmem:s26], [sflag:$0x1], $0x80, v3, vm0, $0xb8;
	[tilespmem:$0x4100] =	vst v63  }
0x128: {  	_ = 	snop  }
0x129: {  	[hbm4b:s7+s3] =	stream.indirect_vreg.scatter [tilespmem:s28], [sflag:$0x1], $0x80, v3, vm0, $0xb8;
	[tilespmem:$0x4100] =	vst v63  }
0x12a: {  	v3 =	vld [tilespmem:$0x80];
	_ =	sdelay $0x4  }
0x12b: {  	v62 =	vshll.u32 v3, $0x2  }
0x12c: {  	v3 =	vand.u32 $0x7, v3;
	v4 =	vand.u32 $0xFFFFFFE0, v62  }
0x12d: {  	v3 =	vor.u32 v3, v4  }
0x12e: {  	v4 =	vperm.xlane v3, v0;
	_ =	sdelay $0x1  }
0x12f: {  	v4 =	vadd.s32 v1, v4;
	_ =	sdelay $0x1  }
0x130: {  	v3 =	vperm.xlane v3, v2;
	_ =	sdelay $0x1  }
0x131: {  	v3 =	vadd.s32 v1, v3  }
0x132: {  	[hbm4b:s2+s3] =	stream.indirect_vreg.scatter [tilespmem:s18], [sflag:$0x2], $0x80, v4, vm0, $0xb8;
	[tilespmem:$0x4100] =	vst v63  }
0x133: {  	_ = 	snop  }
0x134: {  	[hbm4b:s7+s3] =	stream.indirect_vreg.scatter [tilespmem:s21], [sflag:$0x2], $0x80, v4, vm0, $0xb8;
	[tilespmem:$0x4100] =	vst v63  }
0x135: {  	_ = 	snop  }
0x136: {  	[hbm4b:s2+s3] =	stream.indirect_vreg.scatter [tilespmem:s22], [sflag:$0x2], $0x80, v3, vm0, $0xb8;
	[tilespmem:$0x4100] =	vst v63  }
0x137: {  	_ = 	snop  }
0x138: {  	[hbm4b:s7+s3] =	stream.indirect_vreg.scatter [tilespmem:s23], [sflag:$0x2], $0x80, v3, vm0, $0xb8;
	[tilespmem:$0x4100] =	vst v63  }
0x139: {  	v3 =	vld [tilespmem:$0x90];
	_ =	sdelay $0x4  }
0x13a: {  	v63 =	vshll.u32 v3, $0x2  }
0x13b: {  	v3 =	vand.u32 $0x7, v3;
	v4 =	vand.u32 $0xFFFFFFE0, v63  }
0x13c: {  	v3 =	vor.u32 v3, v4  }
0x13d: {  	v4 =	vperm.xlane v3, v0;
	_ =	sdelay $0x1  }
0x13e: {  	v4 =	vadd.s32 v1, v4;
	_ =	sdelay $0x1  }
0x13f: {  	v3 =	vperm.xlane v3, v2;
	_ =	sdelay $0x1  }
0x140: {  	v3 =	vadd.s32 v1, v3  }
0x141: {  	[hbm4b:s2+s3] =	stream.indirect_vreg.scatter [tilespmem:s24], [sflag:$0x2], $0x80, v4, vm0, $0xb8;
	[tilespmem:$0x4100] =	vst v63  }
0x142: {  	_ = 	snop  }
0x143: {  	[hbm4b:s7+s3] =	stream.indirect_vreg.scatter [tilespmem:s25], [sflag:$0x2], $0x80, v4, vm0, $0xb8;
	[tilespmem:$0x4100] =	vst v63  }
0x144: {  	_ = 	snop  }
0x145: {  	[hbm4b:s2+s3] =	stream.indirect_vreg.scatter [tilespmem:s26], [sflag:$0x2], $0x80, v3, vm0, $0xb8;
	[tilespmem:$0x4100] =	vst v63  }
0x146: {  	_ = 	snop  }
0x147: {  	[hbm4b:s7+s3] =	stream.indirect_vreg.scatter [tilespmem:s28], [sflag:$0x2], $0x80, v3, vm0, $0xb8;
	[tilespmem:$0x4100] =	vst v63  }
0x148: {  	p0 =	sne.s32 s17, $0x1;
	_ =	swait.ge [sflag:s29], $0x4000  }
.Ltmp0:
0x149: {  	[sflag:s29] =	ssyncset.done $0x0;
	(pc) =	sbr.rel @p0 .LBB2_1-.Ltmp0, $4  }
0x14a: {  	[sflag:s29] =	ssyncadd.s32 $0xFFFFC000  }
0x14b: {  	_ =	swait.ge [sflag:s30], $0x4000  }
0x14c: {  	[sflag:s30] =	ssyncset.done $0x0  }
0x14d: {  	s17 =	sadd.s32 $0xFFFFFFFF, s17;
	[sflag:s30] =	ssyncadd.s32 $0xFFFFC000  }
0x14e: {  	_ =	sfence.sel $0x180000  }
0x14f: {  	[bflag:$0x0] =	sbarrier.arrive $0xFFFF  }
0x150: {  	p0 =	sne.s32 s1, $0x0;
	_ =	strace $0x90000047  }
0x151: {  	s0 =	sadd.s32 @!p0 $0x100000, s0;
	[bflag:$0x2] =	sbarrier.arrive $0xFFFF  }
0x152: {  	[sflag:s0] =	ssyncadd.tile.s32 @!p0 $0x1;
	_ =	shalt  }
.Lfunc_end2:
_tile_overlayer_lowered:
.L_overlay_start_2:
0x153: {  	(tag) =	ssettag $0x2  }
0x154: {  	s0 =	rddreg [dreg:$0x0];
	s2 =	stileid.u32  }
0x155: {  	s1 =	rddreg [dreg:$0x1];
	p0 =	sne.s32 s2, $0x0  }
0x156: {  	s3 =	rddreg [dreg:$0x2];
	[bflag:$0x3] =	sbarrier.arrive $0xFFFF;
	s2 =	simm.s32 @!p0 $0x1C03  }
0x157: {  	[timem:s3], [sflag:s2] =	dma.local @!p0 [hbm:s0], s1  }
0x158: {  	s0 =	simm.s32 @!p0 $0x3  }
0x159: {  	_ =	swait.ge @!p0 [sflag:s0], s1  }
0x15a: {  	s1 =	ssub.s32 @!p0 $0x0, s1;
	[sflag:s0] =	ssyncset.done @!p0 $0x0  }
0x15b: {  	[sflag:s0] =	ssyncadd.s32 @!p0 s1  }
0x15c: {  	[bflag:$0x3] =	sbarrier.arrive $0xFFFF  }
0x15d: {  	_ =	shalt  }

</sc_bundles>
